<compile_context>
chip_gen: v7x
topology: tpu7x:2x2x1
jax: 0.10.2.dev20260603
libtpu: 0.0.44.dev20260713+nightly
codegen_flags: <defaults>
</compile_context>

<pallas_src>
import functools

import jax
import jax.numpy as jnp
from jax import lax
from jax.experimental import pallas as pl
from jax.experimental.pallas import tpu as pltpu
from jax.experimental.pallas import tpu_sc as plsc

NUM_SEG = 512
PAD = NUM_SEG + 16
NC, NS = 2, 16
NW = NC * NS


def _matvec_tc(h, w8, bs):
    n, d = h.shape

    def body(h_ref, w_ref, o_ref):
        o_ref[...] = lax.dot_general(
            w_ref[...], h_ref[...],
            dimension_numbers=(((1,), (1,)), ((), ())),
            preferred_element_type=jnp.float32,
            precision=lax.Precision.DEFAULT)

    return pl.pallas_call(
        body,
        grid=(n // bs,),
        compiler_params=pltpu.CompilerParams(vmem_limit_bytes=100 * 1024 * 1024),
        in_specs=[
            pl.BlockSpec((bs, d), lambda i: (i, 0)),
            pl.BlockSpec((8, d), lambda i: (0, 0)),
        ],
        out_specs=pl.BlockSpec((8, bs), lambda i: (0, i)),
        out_shape=jax.ShapeDtypeStruct((8, n), jnp.float32),
    )(h, w8)


def _make_segsum_sc(n):
    chunk = n // NW
    groups = chunk // 16
    mesh = plsc.VectorSubcoreMesh(
        core_axis_name="c", subcore_axis_name="s",
        num_cores=NC, num_subcores=NS)

    @functools.partial(
        pl.kernel,
        out_type=jax.ShapeDtypeStruct((NC, NUM_SEG), jnp.float32),
        mesh=mesh,
        compiler_params=pltpu.CompilerParams(needs_layout_passes=False),
        scratch_types=[
            pltpu.VMEM((chunk,), jnp.float32),
            pltpu.VMEM((chunk + 16,), jnp.int32),
            pltpu.VMEM((PAD,), jnp.float32),
            pltpu.VMEM_SHARED((NUM_SEG,), jnp.float32),
            pltpu.VMEM((NUM_SEG,), jnp.int32),
        ],
    )
    def segsum(s_hbm, ids_hbm, out_hbm, sv, idv, acc, shared, iota_v):
        cid = lax.axis_index("c")
        sid = lax.axis_index("s")
        wid = sid * NC + cid
        base = wid * chunk

        pltpu.sync_copy(s_hbm.at[pl.ds(base, chunk)], sv)
        pltpu.sync_copy(ids_hbm.at[pl.ds(base, chunk)], idv.at[pl.ds(0, chunk)])
        idv[pl.ds(chunk, 16)] = jnp.full((16,), NUM_SEG, jnp.int32)

        lane = lax.iota(jnp.int32, 16)
        for k in range(PAD // 16):
            acc[pl.ds(k * 16, 16)] = jnp.zeros((16,), jnp.float32)
        for k in range(NUM_SEG // 16):
            iota_v[pl.ds(k * 16, 16)] = lane + (k * 16)

        @pl.when(sid == 0)
        def _():
            pltpu.sync_copy(acc.at[pl.ds(0, NUM_SEG)], shared)
        plsc.subcore_barrier()

        rot1 = (lane + 1) & 15
        last = jnp.full((16,), 15, jnp.int32)
        zero = jnp.zeros((16,), jnp.int32)

        def group(off, carry):
            vals = sv[pl.ds(off, 16)]
            ids = idv[pl.ds(off, 16)]
            ids_nblk = idv[pl.ds(off + 16, 16)]
            ids_next = jnp.where(
                lane == 15,
                ids_nblk.at[zero].get(mode="promise_in_bounds"),
                ids.at[rot1].get(mode="promise_in_bounds"))
            pref = plsc.cumsum(vals) + carry
            bnd = ids != ids_next
            plsc.addupdate_scatter(acc, [ids], pref, mask=bnd)
            plsc.addupdate_scatter(acc, [ids_next], -pref, mask=bnd)
            return pref.at[last].get(mode="promise_in_bounds")

        quads = groups // 4

        def quad(q, carry):
            off = q * 64
            ids0 = idv[pl.ds(off, 16)]
            ids4 = idv[pl.ds(off + 64, 16)]

            def fast(c):
                tot = (sv[pl.ds(off, 16)] + sv[pl.ds(off + 16, 16)]
                       + sv[pl.ds(off + 32, 16)] + sv[pl.ds(off + 48, 16)])
                return c + jnp.sum(tot)

            def slow(c):
                for u in range(4):
                    c = group(off + u * 16, c)
                return c

            return lax.cond(jnp.any(ids0 != ids4), slow, fast, carry)

        carry = lax.fori_loop(0, quads, quad, jnp.zeros((16,), jnp.float32))
        for g in range(quads * 4, groups):
            carry = group(g * 16, carry)

        pltpu.sync_copy(acc.at[pl.ds(0, NUM_SEG)], shared.at[iota_v], add=True)
        plsc.subcore_barrier()

        @pl.when(sid == 0)
        def _():
            pltpu.sync_copy(shared, acc.at[pl.ds(0, NUM_SEG)])
            pltpu.sync_copy(acc.at[pl.ds(0, NUM_SEG)], out_hbm.at[cid])

    return segsum


def kernel(h, h_batch, W, b):
    n, d = h.shape
    w8 = jnp.broadcast_to(W, (8, d))
    s8 = _matvec_tc(h, w8, bs=32000)
    s_flat = s8.reshape(8 * n)
    ids = h_batch.astype(jnp.int32)
    partials = _make_segsum_sc(n)(s_flat, ids)
    return partials[0] + partials[1] + b[0]

# --- scband reference (transcript-rebuilt; emitter-appended) ---
"""Pipeline reference for scband-mpgnnhead-51170240364731 (READ-ONLY COPY).

The authoritative reference and input builder live on the scoring server;
editing this copy changes nothing except your own understanding.
"""

import jax, jax.numpy as jnp
import numpy as np

NUM_SEGMENTS = 512
NUM_HIDDEN = 128
N = 320000

def setup_inputs(seed: int = 0) -> dict:
    key = jax.random.key(seed)
    k1, k2, k3, k4 = jax.random.split(key, 4)
    h = jax.random.normal(k1, (N, NUM_HIDDEN), dtype=jnp.float32)
    h_batch = jnp.sort(jax.random.randint(k2, (N,), 0, NUM_SEGMENTS, dtype=jnp.int64))
    # nn.Linear(num_hidden, 1) params
    bound = 1.0 / np.sqrt(NUM_HIDDEN)
    W = jax.random.uniform(k3, (1, NUM_HIDDEN), dtype=jnp.float32, minval=-bound, maxval=bound)
    b = jax.random.uniform(k4, (1,), dtype=jnp.float32, minval=-bound, maxval=bound)
    return {"h": h, "h_batch": h_batch, "W": W, "b": b}

def reference(h, h_batch, W, b):
    # global_add_pool: sum node features per graph id
    graph_reprs = jax.ops.segment_sum(h, h_batch, num_segments=NUM_SEGMENTS)
    # self.predict = nn.Linear(num_hidden, 1)
    final_prediction = graph_reprs @ W.T + b
    return final_prediction.squeeze(1)

if __name__ == "__main__":
    import jax
    _d = setup_inputs()
    print(jax.jit(kernel)(*tuple(_d.values())))

</pallas_src>

<mosaic_0001>
#map = affine_map<(d0, d1) -> (0)>
#map1 = affine_map<(d0, d1) -> (0, 0)>
module attributes {stable_mosaic.version = 14 : i64} {
  func.func @segsum(%arg0: i32, %arg1: i32, %arg2: memref<2560000xf32, #tpu.memory_space<hbm>>, %arg3: memref<320000xi32, #tpu.memory_space<hbm>>, %arg4: memref<2x512xf32, #tpu.memory_space<hbm>>, %arg5: memref<10000xf32, #tpu.memory_space<vmem>>, %arg6: memref<10016xi32, #tpu.memory_space<vmem>>, %arg7: memref<528xf32, #tpu.memory_space<vmem>>, %arg8: memref<512xf32, #tpu.memory_space<vmem_shared>>, %arg9: memref<512xi32, #tpu.memory_space<vmem>>) attributes {dimension_semantics = [#tpu.dimension_semantics<core_parallel>, #tpu.dimension_semantics<subcore_parallel>], iteration_bounds = array<i64: 2, 16>, scalar_prefetch = 0 : i64, scratch_operands = 5 : i64, tpu.core_type = #tpu.core_type<sc_vector_subcore>, window_params = [{transform_indices = #map}, {transform_indices = #map}, {transform_indices = #map1}]} {
    %mul3A = arith.constant 2 : i32
    %mul3A_0 = arith.muli %arg1, %mul3A : i32
    %add3A = arith.addi %mul3A_0, %arg0 : i32
    %mul3A_1 = arith.constant 10000 : i32
    %mul3A_2 = arith.muli %add3A, %mul3A_1 : i32
    "tpu.region"() ({
      %run_scoped3A = tpu.sem_alloc : memref<!tpu.dma_semaphore, #tpu.memory_space<semaphore_mem>>
      %dma_start3A = tpu.memref_slice %arg2[%mul3A_2] : memref<2560000xf32, #tpu.memory_space<hbm>> -> memref<10000xf32, #tpu.memory_space<hbm>>
      %dma_start3A_362 = tpu.memref_slice %arg2[%mul3A_2] : memref<2560000xf32, #tpu.memory_space<hbm>> -> memref<10000xf32, #tpu.memory_space<hbm>>
      tpu.enqueue_dma source(%dma_start3A_362 : memref<10000xf32, #tpu.memory_space<hbm>>) target(%arg5 : memref<10000xf32, #tpu.memory_space<vmem>>) target_semaphore(%run_scoped3A : memref<!tpu.dma_semaphore, #tpu.memory_space<semaphore_mem>>)
      %dma_wait3A = tpu.memref_slice %arg2[%mul3A_2] : memref<2560000xf32, #tpu.memory_space<hbm>> -> memref<10000xf32, #tpu.memory_space<hbm>>
      %dma_wait3A_363 = tpu.memref_slice %arg2[%mul3A_2] : memref<2560000xf32, #tpu.memory_space<hbm>> -> memref<10000xf32, #tpu.memory_space<hbm>>
      tpu.wait_dma2 semaphore(%run_scoped3A : memref<!tpu.dma_semaphore, #tpu.memory_space<semaphore_mem>>) src(%dma_wait3A_363 : memref<10000xf32, #tpu.memory_space<hbm>>) dst(%arg5 : memref<10000xf32, #tpu.memory_space<vmem>>)
      tpu.yield
    }) : () -> ()
    "tpu.region"() ({
      %run_scoped3A = tpu.sem_alloc : memref<!tpu.dma_semaphore, #tpu.memory_space<semaphore_mem>>
      %dma_start3A = arith.constant 0 : i32
      %dma_start3A_362 = tpu.memref_slice %arg6[%dma_start3A] : memref<10016xi32, #tpu.memory_space<vmem>> -> memref<10000xi32, #tpu.memory_space<vmem>>
      %dma_start3A_363 = tpu.memref_slice %arg3[%mul3A_2] : memref<320000xi32, #tpu.memory_space<hbm>> -> memref<10000xi32, #tpu.memory_space<hbm>>
      %dma_start3A_364 = arith.constant 0 : i32
      %dma_start3A_365 = tpu.memref_slice %arg6[%dma_start3A_364] : memref<10016xi32, #tpu.memory_space<vmem>> -> memref<10000xi32, #tpu.memory_space<vmem>>
      %dma_start3A_366 = tpu.memref_slice %arg3[%mul3A_2] : memref<320000xi32, #tpu.memory_space<hbm>> -> memref<10000xi32, #tpu.memory_space<hbm>>
      tpu.enqueue_dma source(%dma_start3A_366 : memref<10000xi32, #tpu.memory_space<hbm>>) target(%dma_start3A_365 : memref<10000xi32, #tpu.memory_space<vmem>>) target_semaphore(%run_scoped3A : memref<!tpu.dma_semaphore, #tpu.memory_space<semaphore_mem>>)
      %dma_wait3A = arith.constant 0 : i32
      %dma_wait3A_367 = tpu.memref_slice %arg6[%dma_wait3A] : memref<10016xi32, #tpu.memory_space<vmem>> -> memref<10000xi32, #tpu.memory_space<vmem>>
      %dma_wait3A_368 = tpu.memref_slice %arg3[%mul3A_2] : memref<320000xi32, #tpu.memory_space<hbm>> -> memref<10000xi32, #tpu.memory_space<hbm>>
      %dma_wait3A_369 = arith.constant 0 : i32
      %dma_wait3A_370 = tpu.memref_slice %arg6[%dma_wait3A_369] : memref<10016xi32, #tpu.memory_space<vmem>> -> memref<10000xi32, #tpu.memory_space<vmem>>
      %dma_wait3A_371 = tpu.memref_slice %arg3[%mul3A_2] : memref<320000xi32, #tpu.memory_space<hbm>> -> memref<10000xi32, #tpu.memory_space<hbm>>
      tpu.wait_dma2 semaphore(%run_scoped3A : memref<!tpu.dma_semaphore, #tpu.memory_space<semaphore_mem>>) src(%dma_wait3A_371 : memref<10000xi32, #tpu.memory_space<hbm>>) dst(%dma_wait3A_370 : memref<10000xi32, #tpu.memory_space<vmem>>)
      tpu.yield
    }) : () -> ()
    %broadcast_in_dim3A = arith.constant 512 : i32
    %broadcast_in_dim3A_3 = vector.broadcast %broadcast_in_dim3A : i32 to vector<16xi32>
    %swap3A = arith.constant 10000 : index
    %swap3A_4 = tpu.vector_load %arg6[%swap3A] {strides = array<i32>} : memref<10016xi32, #tpu.memory_space<vmem>>, vector<16xi32>,
    tpu.vector_store %arg6[%swap3A], %broadcast_in_dim3A_3 {strides = array<i32>} : memref<10016xi32, #tpu.memory_space<vmem>>, vector<16xi32>,
    %iota3A = tpu.iota {dimensions = array<i32: 0>} : vector<16xi32>
    %broadcast_in_dim3A_5 = arith.constant 0.000000e+00 : f32
    %broadcast_in_dim3A_6 = vector.broadcast %broadcast_in_dim3A_5 : f32 to vector<16xf32>
    %swap3A_7 = arith.constant 0 : index
    %swap3A_8 = tpu.vector_load %arg7[%swap3A_7] {strides = array<i32>} : memref<528xf32, #tpu.memory_space<vmem>>, vector<16xf32>,
    tpu.vector_store %arg7[%swap3A_7], %broadcast_in_dim3A_6 {strides = array<i32>} : memref<528xf32, #tpu.memory_space<vmem>>, vector<16xf32>,
    %broadcast_in_dim3A_9 = arith.constant 0.000000e+00 : f32
    %broadcast_in_dim3A_10 = vector.broadcast %broadcast_in_dim3A_9 : f32 to vector<16xf32>
    %swap3A_11 = arith.constant 16 : index
    %swap3A_12 = tpu.vector_load %arg7[%swap3A_11] {strides = array<i32>} : memref<528xf32, #tpu.memory_space<vmem>>, vector<16xf32>,
    tpu.vector_store %arg7[%swap3A_11], %broadcast_in_dim3A_10 {strides = array<i32>} : memref<528xf32, #tpu.memory_space<vmem>>, vector<16xf32>,
    %broadcast_in_dim3A_13 = arith.constant 0.000000e+00 : f32
    %broadcast_in_dim3A_14 = vector.broadcast %broadcast_in_dim3A_13 : f32 to vector<16xf32>
    %swap3A_15 = arith.constant 32 : index
    %swap3A_16 = tpu.vector_load %arg7[%swap3A_15] {strides = array<i32>} : memref<528xf32, #tpu.memory_space<vmem>>, vector<16xf32>,
    tpu.vector_store %arg7[%swap3A_15], %broadcast_in_dim3A_14 {strides = array<i32>} : memref<528xf32, #tpu.memory_space<vmem>>, vector<16xf32>,
    %broadcast_in_dim3A_17 = arith.constant 0.000000e+00 : f32
    %broadcast_in_dim3A_18 = vector.broadcast %broadcast_in_dim3A_17 : f32 to vector<16xf32>
    %swap3A_19 = arith.constant 48 : index
    %swap3A_20 = tpu.vector_load %arg7[%swap3A_19] {strides = array<i32>} : memref<528xf32, #tpu.memory_space<vmem>>, vector<16xf32>,
    tpu.vector_store %arg7[%swap3A_19], %broadcast_in_dim3A_18 {strides = array<i32>} : memref<528xf32, #tpu.memory_space<vmem>>, vector<16xf32>,
    %broadcast_in_dim3A_21 = arith.constant 0.000000e+00 : f32
    %broadcast_in_dim3A_22 = vector.broadcast %broadcast_in_dim3A_21 : f32 to vector<16xf32>
    %swap3A_23 = arith.constant 64 : index
    %swap3A_24 = tpu.vector_load %arg7[%swap3A_23] {strides = array<i32>} : memref<528xf32, #tpu.memory_space<vmem>>, vector<16xf32>,
    tpu.vector_store %arg7[%swap3A_23], %broadcast_in_dim3A_22 {strides = array<i32>} : memref<528xf32, #tpu.memory_space<vmem>>, vector<16xf32>,
    %broadcast_in_dim3A_25 = arith.constant 0.000000e+00 : f32
    %broadcast_in_dim3A_26 = vector.broadcast %broadcast_in_dim3A_25 : f32 to vector<16xf32>
    %swap3A_27 = arith.constant 80 : index
    %swap3A_28 = tpu.vector_load %arg7[%swap3A_27] {strides = array<i32>} : memref<528xf32, #tpu.memory_space<vmem>>, vector<16xf32>,
    tpu.vector_store %arg7[%swap3A_27], %broadcast_in_dim3A_26 {strides = array<i32>} : memref<528xf32, #tpu.memory_space<vmem>>, vector<16xf32>,
    %broadcast_in_dim3A_29 = arith.constant 0.000000e+00 : f32
    %broadcast_in_dim3A_30 = vector.broadcast %broadcast_in_dim3A_29 : f32 to vector<16xf32>
    %swap3A_31 = arith.constant 96 : index
    %swap3A_32 = tpu.vector_load %arg7[%swap3A_31] {strides = array<i32>} : memref<528xf32, #tpu.memory_space<vmem>>, vector<16xf32>,
    tpu.vector_store %arg7[%swap3A_31], %broadcast_in_dim3A_30 {strides = array<i32>} : memref<528xf32, #tpu.memory_space<vmem>>, vector<16xf32>,
    %broadcast_in_dim3A_33 = arith.constant 0.000000e+00 : f32
    %broadcast_in_dim3A_34 = vector.broadcast %broadcast_in_dim3A_33 : f32 to vector<16xf32>
    %swap3A_35 = arith.constant 112 : index
    %swap3A_36 = tpu.vector_load %arg7[%swap3A_35] {strides = array<i32>} : memref<528xf32, #tpu.memory_space<vmem>>, vector<16xf32>,
    tpu.vector_store %arg7[%swap3A_35], %broadcast_in_dim3A_34 {strides = array<i32>} : memref<528xf32, #tpu.memory_space<vmem>>, vector<16xf32>,
    %broadcast_in_dim3A_37 = arith.constant 0.000000e+00 : f32
    %broadcast_in_dim3A_38 = vector.broadcast %broadcast_in_dim3A_37 : f32 to vector<16xf32>
    %swap3A_39 = arith.constant 128 : index
    %swap3A_40 = tpu.vector_load %arg7[%swap3A_39] {strides = array<i32>} : memref<528xf32, #tpu.memory_space<vmem>>, vector<16xf32>,
    tpu.vector_store %arg7[%swap3A_39], %broadcast_in_dim3A_38 {strides = array<i32>} : memref<528xf32, #tpu.memory_space<vmem>>, vector<16xf32>,
    %broadcast_in_dim3A_41 = arith.constant 0.000000e+00 : f32
    %broadcast_in_dim3A_42 = vector.broadcast %broadcast_in_dim3A_41 : f32 to vector<16xf32>
    %swap3A_43 = arith.constant 144 : index
    %swap3A_44 = tpu.vector_load %arg7[%swap3A_43] {strides = array<i32>} : memref<528xf32, #tpu.memory_space<vmem>>, vector<16xf32>,
    tpu.vector_store %arg7[%swap3A_43], %broadcast_in_dim3A_42 {strides = array<i32>} : memref<528xf32, #tpu.memory_space<vmem>>, vector<16xf32>,
    %broadcast_in_dim3A_45 = arith.constant 0.000000e+00 : f32
    %broadcast_in_dim3A_46 = vector.broadcast %broadcast_in_dim3A_45 : f32 to vector<16xf32>
    %swap3A_47 = arith.constant 160 : index
    %swap3A_48 = tpu.vector_load %arg7[%swap3A_47] {strides = array<i32>} : memref<528xf32, #tpu.memory_space<vmem>>, vector<16xf32>,
    tpu.vector_store %arg7[%swap3A_47], %broadcast_in_dim3A_46 {strides = array<i32>} : memref<528xf32, #tpu.memory_space<vmem>>, vector<16xf32>,
    %broadcast_in_dim3A_49 = arith.constant 0.000000e+00 : f32
    %broadcast_in_dim3A_50 = vector.broadcast %broadcast_in_dim3A_49 : f32 to vector<16xf32>
    %swap3A_51 = arith.constant 176 : index
    %swap3A_52 = tpu.vector_load %arg7[%swap3A_51] {strides = array<i32>} : memref<528xf32, #tpu.memory_space<vmem>>, vector<16xf32>,
    tpu.vector_store %arg7[%swap3A_51], %broadcast_in_dim3A_50 {strides = array<i32>} : memref<528xf32, #tpu.memory_space<vmem>>, vector<16xf32>,
    %broadcast_in_dim3A_53 = arith.constant 0.000000e+00 : f32
    %broadcast_in_dim3A_54 = vector.broadcast %broadcast_in_dim3A_53 : f32 to vector<16xf32>
    %swap3A_55 = arith.constant 192 : index
    %swap3A_56 = tpu.vector_load %arg7[%swap3A_55] {strides = array<i32>} : memref<528xf32, #tpu.memory_space<vmem>>, vector<16xf32>,
    tpu.vector_store %arg7[%swap3A_55], %broadcast_in_dim3A_54 {strides = array<i32>} : memref<528xf32, #tpu.memory_space<vmem>>, vector<16xf32>,
    %broadcast_in_dim3A_57 = arith.constant 0.000000e+00 : f32
    %broadcast_in_dim3A_58 = vector.broadcast %broadcast_in_dim3A_57 : f32 to vector<16xf32>
    %swap3A_59 = arith.constant 208 : index
    %swap3A_60 = tpu.vector_load %arg7[%swap3A_59] {strides = array<i32>} : memref<528xf32, #tpu.memory_space<vmem>>, vector<16xf32>,
    tpu.vector_store %arg7[%swap3A_59], %broadcast_in_dim3A_58 {strides = array<i32>} : memref<528xf32, #tpu.memory_space<vmem>>, vector<16xf32>,
    %broadcast_in_dim3A_61 = arith.constant 0.000000e+00 : f32
    %broadcast_in_dim3A_62 = vector.broadcast %broadcast_in_dim3A_61 : f32 to vector<16xf32>
    %swap3A_63 = arith.constant 224 : index
    %swap3A_64 = tpu.vector_load %arg7[%swap3A_63] {strides = array<i32>} : memref<528xf32, #tpu.memory_space<vmem>>, vector<16xf32>,
    tpu.vector_store %arg7[%swap3A_63], %broadcast_in_dim3A_62 {strides = array<i32>} : memref<528xf32, #tpu.memory_space<vmem>>, vector<16xf32>,
    %broadcast_in_dim3A_65 = arith.constant 0.000000e+00 : f32
    %broadcast_in_dim3A_66 = vector.broadcast %broadcast_in_dim3A_65 : f32 to vector<16xf32>
    %swap3A_67 = arith.constant 240 : index
    %swap3A_68 = tpu.vector_load %arg7[%swap3A_67] {strides = array<i32>} : memref<528xf32, #tpu.memory_space<vmem>>, vector<16xf32>,
    tpu.vector_store %arg7[%swap3A_67], %broadcast_in_dim3A_66 {strides = array<i32>} : memref<528xf32, #tpu.memory_space<vmem>>, vector<16xf32>,
    %broadcast_in_dim3A_69 = arith.constant 0.000000e+00 : f32
    %broadcast_in_dim3A_70 = vector.broadcast %broadcast_in_dim3A_69 : f32 to vector<16xf32>
    %swap3A_71 = arith.constant 256 : index
    %swap3A_72 = tpu.vector_load %arg7[%swap3A_71] {strides = array<i32>} : memref<528xf32, #tpu.memory_space<vmem>>, vector<16xf32>,
    tpu.vector_store %arg7[%swap3A_71], %broadcast_in_dim3A_70 {strides = array<i32>} : memref<528xf32, #tpu.memory_space<vmem>>, vector<16xf32>,
    %broadcast_in_dim3A_73 = arith.constant 0.000000e+00 : f32
    %broadcast_in_dim3A_74 = vector.broadcast %broadcast_in_dim3A_73 : f32 to vector<16xf32>
    %swap3A_75 = arith.constant 272 : index
    %swap3A_76 = tpu.vector_load %arg7[%swap3A_75] {strides = array<i32>} : memref<528xf32, #tpu.memory_space<vmem>>, vector<16xf32>,
    tpu.vector_store %arg7[%swap3A_75], %broadcast_in_dim3A_74 {strides = array<i32>} : memref<528xf32, #tpu.memory_space<vmem>>, vector<16xf32>,
    %broadcast_in_dim3A_77 = arith.constant 0.000000e+00 : f32
    %broadcast_in_dim3A_78 = vector.broadcast %broadcast_in_dim3A_77 : f32 to vector<16xf32>
    %swap3A_79 = arith.constant 288 : index
    %swap3A_80 = tpu.vector_load %arg7[%swap3A_79] {strides = array<i32>} : memref<528xf32, #tpu.memory_space<vmem>>, vector<16xf32>,
    tpu.vector_store %arg7[%swap3A_79], %broadcast_in_dim3A_78 {strides = array<i32>} : memref<528xf32, #tpu.memory_space<vmem>>, vector<16xf32>,
    %broadcast_in_dim3A_81 = arith.constant 0.000000e+00 : f32
    %broadcast_in_dim3A_82 = vector.broadcast %broadcast_in_dim3A_81 : f32 to vector<16xf32>
    %swap3A_83 = arith.constant 304 : index
    %swap3A_84 = tpu.vector_load %arg7[%swap3A_83] {strides = array<i32>} : memref<528xf32, #tpu.memory_space<vmem>>, vector<16xf32>,
    tpu.vector_store %arg7[%swap3A_83], %broadcast_in_dim3A_82 {strides = array<i32>} : memref<528xf32, #tpu.memory_space<vmem>>, vector<16xf32>,
    %broadcast_in_dim3A_85 = arith.constant 0.000000e+00 : f32
    %broadcast_in_dim3A_86 = vector.broadcast %broadcast_in_dim3A_85 : f32 to vector<16xf32>
    %swap3A_87 = arith.constant 320 : index
    %swap3A_88 = tpu.vector_load %arg7[%swap3A_87] {strides = array<i32>} : memref<528xf32, #tpu.memory_space<vmem>>, vector<16xf32>,
    tpu.vector_store %arg7[%swap3A_87], %broadcast_in_dim3A_86 {strides = array<i32>} : memref<528xf32, #tpu.memory_space<vmem>>, vector<16xf32>,
    %broadcast_in_dim3A_89 = arith.constant 0.000000e+00 : f32
    %broadcast_in_dim3A_90 = vector.broadcast %broadcast_in_dim3A_89 : f32 to vector<16xf32>
    %swap3A_91 = arith.constant 336 : index
    %swap3A_92 = tpu.vector_load %arg7[%swap3A_91] {strides = array<i32>} : memref<528xf32, #tpu.memory_space<vmem>>, vector<16xf32>,
    tpu.vector_store %arg7[%swap3A_91], %broadcast_in_dim3A_90 {strides = array<i32>} : memref<528xf32, #tpu.memory_space<vmem>>, vector<16xf32>,
    %broadcast_in_dim3A_93 = arith.constant 0.000000e+00 : f32
    %broadcast_in_dim3A_94 = vector.broadcast %broadcast_in_dim3A_93 : f32 to vector<16xf32>
    %swap3A_95 = arith.constant 352 : index
    %swap3A_96 = tpu.vector_load %arg7[%swap3A_95] {strides = array<i32>} : memref<528xf32, #tpu.memory_space<vmem>>, vector<16xf32>,
    tpu.vector_store %arg7[%swap3A_95], %broadcast_in_dim3A_94 {strides = array<i32>} : memref<528xf32, #tpu.memory_space<vmem>>, vector<16xf32>,
    %broadcast_in_dim3A_97 = arith.constant 0.000000e+00 : f32
    %broadcast_in_dim3A_98 = vector.broadcast %broadcast_in_dim3A_97 : f32 to vector<16xf32>
    %swap3A_99 = arith.constant 368 : index
    %swap3A_100 = tpu.vector_load %arg7[%swap3A_99] {strides = array<i32>} : memref<528xf32, #tpu.memory_space<vmem>>, vector<16xf32>,
    tpu.vector_store %arg7[%swap3A_99], %broadcast_in_dim3A_98 {strides = array<i32>} : memref<528xf32, #tpu.memory_space<vmem>>, vector<16xf32>,
    %broadcast_in_dim3A_101 = arith.constant 0.000000e+00 : f32
    %broadcast_in_dim3A_102 = vector.broadcast %broadcast_in_dim3A_101 : f32 to vector<16xf32>
    %swap3A_103 = arith.constant 384 : index
    %swap3A_104 = tpu.vector_load %arg7[%swap3A_103] {strides = array<i32>} : memref<528xf32, #tpu.memory_space<vmem>>, vector<16xf32>,
    tpu.vector_store %arg7[%swap3A_103], %broadcast_in_dim3A_102 {strides = array<i32>} : memref<528xf32, #tpu.memory_space<vmem>>, vector<16xf32>,
    %broadcast_in_dim3A_105 = arith.constant 0.000000e+00 : f32
    %broadcast_in_dim3A_106 = vector.broadcast %broadcast_in_dim3A_105 : f32 to vector<16xf32>
    %swap3A_107 = arith.constant 400 : index
    %swap3A_108 = tpu.vector_load %arg7[%swap3A_107] {strides = array<i32>} : memref<528xf32, #tpu.memory_space<vmem>>, vector<16xf32>,
    tpu.vector_store %arg7[%swap3A_107], %broadcast_in_dim3A_106 {strides = array<i32>} : memref<528xf32, #tpu.memory_space<vmem>>, vector<16xf32>,
    %broadcast_in_dim3A_109 = arith.constant 0.000000e+00 : f32
    %broadcast_in_dim3A_110 = vector.broadcast %broadcast_in_dim3A_109 : f32 to vector<16xf32>
    %swap3A_111 = arith.constant 416 : index
    %swap3A_112 = tpu.vector_load %arg7[%swap3A_111] {strides = array<i32>} : memref<528xf32, #tpu.memory_space<vmem>>, vector<16xf32>,
    tpu.vector_store %arg7[%swap3A_111], %broadcast_in_dim3A_110 {strides = array<i32>} : memref<528xf32, #tpu.memory_space<vmem>>, vector<16xf32>,
    %broadcast_in_dim3A_113 = arith.constant 0.000000e+00 : f32
    %broadcast_in_dim3A_114 = vector.broadcast %broadcast_in_dim3A_113 : f32 to vector<16xf32>
    %swap3A_115 = arith.constant 432 : index
    %swap3A_116 = tpu.vector_load %arg7[%swap3A_115] {strides = array<i32>} : memref<528xf32, #tpu.memory_space<vmem>>, vector<16xf32>,
    tpu.vector_store %arg7[%swap3A_115], %broadcast_in_dim3A_114 {strides = array<i32>} : memref<528xf32, #tpu.memory_space<vmem>>, vector<16xf32>,
    %broadcast_in_dim3A_117 = arith.constant 0.000000e+00 : f32
    %broadcast_in_dim3A_118 = vector.broadcast %broadcast_in_dim3A_117 : f32 to vector<16xf32>
    %swap3A_119 = arith.constant 448 : index
    %swap3A_120 = tpu.vector_load %arg7[%swap3A_119] {strides = array<i32>} : memref<528xf32, #tpu.memory_space<vmem>>, vector<16xf32>,
    tpu.vector_store %arg7[%swap3A_119], %broadcast_in_dim3A_118 {strides = array<i32>} : memref<528xf32, #tpu.memory_space<vmem>>, vector<16xf32>,
    %broadcast_in_dim3A_121 = arith.constant 0.000000e+00 : f32
    %broadcast_in_dim3A_122 = vector.broadcast %broadcast_in_dim3A_121 : f32 to vector<16xf32>
    %swap3A_123 = arith.constant 464 : index
    %swap3A_124 = tpu.vector_load %arg7[%swap3A_123] {strides = array<i32>} : memref<528xf32, #tpu.memory_space<vmem>>, vector<16xf32>,
    tpu.vector_store %arg7[%swap3A_123], %broadcast_in_dim3A_122 {strides = array<i32>} : memref<528xf32, #tpu.memory_space<vmem>>, vector<16xf32>,
    %broadcast_in_dim3A_125 = arith.constant 0.000000e+00 : f32
    %broadcast_in_dim3A_126 = vector.broadcast %broadcast_in_dim3A_125 : f32 to vector<16xf32>
    %swap3A_127 = arith.constant 480 : index
    %swap3A_128 = tpu.vector_load %arg7[%swap3A_127] {strides = array<i32>} : memref<528xf32, #tpu.memory_space<vmem>>, vector<16xf32>,
    tpu.vector_store %arg7[%swap3A_127], %broadcast_in_dim3A_126 {strides = array<i32>} : memref<528xf32, #tpu.memory_space<vmem>>, vector<16xf32>,
    %broadcast_in_dim3A_129 = arith.constant 0.000000e+00 : f32
    %broadcast_in_dim3A_130 = vector.broadcast %broadcast_in_dim3A_129 : f32 to vector<16xf32>
    %swap3A_131 = arith.constant 496 : index
    %swap3A_132 = tpu.vector_load %arg7[%swap3A_131] {strides = array<i32>} : memref<528xf32, #tpu.memory_space<vmem>>, vector<16xf32>,
    tpu.vector_store %arg7[%swap3A_131], %broadcast_in_dim3A_130 {strides = array<i32>} : memref<528xf32, #tpu.memory_space<vmem>>, vector<16xf32>,
    %broadcast_in_dim3A_133 = arith.constant 0.000000e+00 : f32
    %broadcast_in_dim3A_134 = vector.broadcast %broadcast_in_dim3A_133 : f32 to vector<16xf32>
    %swap3A_135 = arith.constant 512 : index
    %swap3A_136 = tpu.vector_load %arg7[%swap3A_135] {strides = array<i32>} : memref<528xf32, #tpu.memory_space<vmem>>, vector<16xf32>,
    tpu.vector_store %arg7[%swap3A_135], %broadcast_in_dim3A_134 {strides = array<i32>} : memref<528xf32, #tpu.memory_space<vmem>>, vector<16xf32>,
    %add3A_137 = arith.constant 0 : i32
    %add3A_138 = vector.broadcast %add3A_137 : i32 to vector<16xi32>
    %add3A_139 = arith.addi %iota3A, %add3A_138 : vector<16xi32>
    %swap3A_140 = arith.constant 0 : index
    %swap3A_141 = tpu.vector_load %arg9[%swap3A_140] {strides = array<i32>} : memref<512xi32, #tpu.memory_space<vmem>>, vector<16xi32>,
    tpu.vector_store %arg9[%swap3A_140], %add3A_139 {strides = array<i32>} : memref<512xi32, #tpu.memory_space<vmem>>, vector<16xi32>,
    %add3A_142 = arith.constant 16 : i32
    %add3A_143 = vector.broadcast %add3A_142 : i32 to vector<16xi32>
    %add3A_144 = arith.addi %iota3A, %add3A_143 : vector<16xi32>
    %swap3A_145 = arith.constant 16 : index
    %swap3A_146 = tpu.vector_load %arg9[%swap3A_145] {strides = array<i32>} : memref<512xi32, #tpu.memory_space<vmem>>, vector<16xi32>,
    tpu.vector_store %arg9[%swap3A_145], %add3A_144 {strides = array<i32>} : memref<512xi32, #tpu.memory_space<vmem>>, vector<16xi32>,
    %add3A_147 = arith.constant 32 : i32
    %add3A_148 = vector.broadcast %add3A_147 : i32 to vector<16xi32>
    %add3A_149 = arith.addi %iota3A, %add3A_148 : vector<16xi32>
    %swap3A_150 = arith.constant 32 : index
    %swap3A_151 = tpu.vector_load %arg9[%swap3A_150] {strides = array<i32>} : memref<512xi32, #tpu.memory_space<vmem>>, vector<16xi32>,
    tpu.vector_store %arg9[%swap3A_150], %add3A_149 {strides = array<i32>} : memref<512xi32, #tpu.memory_space<vmem>>, vector<16xi32>,
    %add3A_152 = arith.constant 48 : i32
    %add3A_153 = vector.broadcast %add3A_152 : i32 to vector<16xi32>
    %add3A_154 = arith.addi %iota3A, %add3A_153 : vector<16xi32>
    %swap3A_155 = arith.constant 48 : index
    %swap3A_156 = tpu.vector_load %arg9[%swap3A_155] {strides = array<i32>} : memref<512xi32, #tpu.memory_space<vmem>>, vector<16xi32>,
    tpu.vector_store %arg9[%swap3A_155], %add3A_154 {strides = array<i32>} : memref<512xi32, #tpu.memory_space<vmem>>, vector<16xi32>,
    %add3A_157 = arith.constant 64 : i32
    %add3A_158 = vector.broadcast %add3A_157 : i32 to vector<16xi32>
    %add3A_159 = arith.addi %iota3A, %add3A_158 : vector<16xi32>
    %swap3A_160 = arith.constant 64 : index
    %swap3A_161 = tpu.vector_load %arg9[%swap3A_160] {strides = array<i32>} : memref<512xi32, #tpu.memory_space<vmem>>, vector<16xi32>,
    tpu.vector_store %arg9[%swap3A_160], %add3A_159 {strides = array<i32>} : memref<512xi32, #tpu.memory_space<vmem>>, vector<16xi32>,
    %add3A_162 = arith.constant 80 : i32
    %add3A_163 = vector.broadcast %add3A_162 : i32 to vector<16xi32>
    %add3A_164 = arith.addi %iota3A, %add3A_163 : vector<16xi32>
    %swap3A_165 = arith.constant 80 : index
    %swap3A_166 = tpu.vector_load %arg9[%swap3A_165] {strides = array<i32>} : memref<512xi32, #tpu.memory_space<vmem>>, vector<16xi32>,
    tpu.vector_store %arg9[%swap3A_165], %add3A_164 {strides = array<i32>} : memref<512xi32, #tpu.memory_space<vmem>>, vector<16xi32>,
    %add3A_167 = arith.constant 96 : i32
    %add3A_168 = vector.broadcast %add3A_167 : i32 to vector<16xi32>
    %add3A_169 = arith.addi %iota3A, %add3A_168 : vector<16xi32>
    %swap3A_170 = arith.constant 96 : index
    %swap3A_171 = tpu.vector_load %arg9[%swap3A_170] {strides = array<i32>} : memref<512xi32, #tpu.memory_space<vmem>>, vector<16xi32>,
    tpu.vector_store %arg9[%swap3A_170], %add3A_169 {strides = array<i32>} : memref<512xi32, #tpu.memory_space<vmem>>, vector<16xi32>,
    %add3A_172 = arith.constant 112 : i32
    %add3A_173 = vector.broadcast %add3A_172 : i32 to vector<16xi32>
    %add3A_174 = arith.addi %iota3A, %add3A_173 : vector<16xi32>
    %swap3A_175 = arith.constant 112 : index
    %swap3A_176 = tpu.vector_load %arg9[%swap3A_175] {strides = array<i32>} : memref<512xi32, #tpu.memory_space<vmem>>, vector<16xi32>,
    tpu.vector_store %arg9[%swap3A_175], %add3A_174 {strides = array<i32>} : memref<512xi32, #tpu.memory_space<vmem>>, vector<16xi32>,
    %add3A_177 = arith.constant 128 : i32
    %add3A_178 = vector.broadcast %add3A_177 : i32 to vector<16xi32>
    %add3A_179 = arith.addi %iota3A, %add3A_178 : vector<16xi32>
    %swap3A_180 = arith.constant 128 : index
    %swap3A_181 = tpu.vector_load %arg9[%swap3A_180] {strides = array<i32>} : memref<512xi32, #tpu.memory_space<vmem>>, vector<16xi32>,
    tpu.vector_store %arg9[%swap3A_180], %add3A_179 {strides = array<i32>} : memref<512xi32, #tpu.memory_space<vmem>>, vector<16xi32>,
    %add3A_182 = arith.constant 144 : i32
    %add3A_183 = vector.broadcast %add3A_182 : i32 to vector<16xi32>
    %add3A_184 = arith.addi %iota3A, %add3A_183 : vector<16xi32>
    %swap3A_185 = arith.constant 144 : index
    %swap3A_186 = tpu.vector_load %arg9[%swap3A_185] {strides = array<i32>} : memref<512xi32, #tpu.memory_space<vmem>>, vector<16xi32>,
    tpu.vector_store %arg9[%swap3A_185], %add3A_184 {strides = array<i32>} : memref<512xi32, #tpu.memory_space<vmem>>, vector<16xi32>,
    %add3A_187 = arith.constant 160 : i32
    %add3A_188 = vector.broadcast %add3A_187 : i32 to vector<16xi32>
    %add3A_189 = arith.addi %iota3A, %add3A_188 : vector<16xi32>
    %swap3A_190 = arith.constant 160 : index
    %swap3A_191 = tpu.vector_load %arg9[%swap3A_190] {strides = array<i32>} : memref<512xi32, #tpu.memory_space<vmem>>, vector<16xi32>,
    tpu.vector_store %arg9[%swap3A_190], %add3A_189 {strides = array<i32>} : memref<512xi32, #tpu.memory_space<vmem>>, vector<16xi32>,
    %add3A_192 = arith.constant 176 : i32
    %add3A_193 = vector.broadcast %add3A_192 : i32 to vector<16xi32>
    %add3A_194 = arith.addi %iota3A, %add3A_193 : vector<16xi32>
    %swap3A_195 = arith.constant 176 : index
    %swap3A_196 = tpu.vector_load %arg9[%swap3A_195] {strides = array<i32>} : memref<512xi32, #tpu.memory_space<vmem>>, vector<16xi32>,
    tpu.vector_store %arg9[%swap3A_195], %add3A_194 {strides = array<i32>} : memref<512xi32, #tpu.memory_space<vmem>>, vector<16xi32>,
    %add3A_197 = arith.constant 192 : i32
    %add3A_198 = vector.broadcast %add3A_197 : i32 to vector<16xi32>
    %add3A_199 = arith.addi %iota3A, %add3A_198 : vector<16xi32>
    %swap3A_200 = arith.constant 192 : index
    %swap3A_201 = tpu.vector_load %arg9[%swap3A_200] {strides = array<i32>} : memref<512xi32, #tpu.memory_space<vmem>>, vector<16xi32>,
    tpu.vector_store %arg9[%swap3A_200], %add3A_199 {strides = array<i32>} : memref<512xi32, #tpu.memory_space<vmem>>, vector<16xi32>,
    %add3A_202 = arith.constant 208 : i32
    %add3A_203 = vector.broadcast %add3A_202 : i32 to vector<16xi32>
    %add3A_204 = arith.addi %iota3A, %add3A_203 : vector<16xi32>
    %swap3A_205 = arith.constant 208 : index
    %swap3A_206 = tpu.vector_load %arg9[%swap3A_205] {strides = array<i32>} : memref<512xi32, #tpu.memory_space<vmem>>, vector<16xi32>,
    tpu.vector_store %arg9[%swap3A_205], %add3A_204 {strides = array<i32>} : memref<512xi32, #tpu.memory_space<vmem>>, vector<16xi32>,
    %add3A_207 = arith.constant 224 : i32
    %add3A_208 = vector.broadcast %add3A_207 : i32 to vector<16xi32>
    %add3A_209 = arith.addi %iota3A, %add3A_208 : vector<16xi32>
    %swap3A_210 = arith.constant 224 : index
    %swap3A_211 = tpu.vector_load %arg9[%swap3A_210] {strides = array<i32>} : memref<512xi32, #tpu.memory_space<vmem>>, vector<16xi32>,
    tpu.vector_store %arg9[%swap3A_210], %add3A_209 {strides = array<i32>} : memref<512xi32, #tpu.memory_space<vmem>>, vector<16xi32>,
    %add3A_212 = arith.constant 240 : i32
    %add3A_213 = vector.broadcast %add3A_212 : i32 to vector<16xi32>
    %add3A_214 = arith.addi %iota3A, %add3A_213 : vector<16xi32>
    %swap3A_215 = arith.constant 240 : index
    %swap3A_216 = tpu.vector_load %arg9[%swap3A_215] {strides = array<i32>} : memref<512xi32, #tpu.memory_space<vmem>>, vector<16xi32>,
    tpu.vector_store %arg9[%swap3A_215], %add3A_214 {strides = array<i32>} : memref<512xi32, #tpu.memory_space<vmem>>, vector<16xi32>,
    %add3A_217 = arith.constant 256 : i32
    %add3A_218 = vector.broadcast %add3A_217 : i32 to vector<16xi32>
    %add3A_219 = arith.addi %iota3A, %add3A_218 : vector<16xi32>
    %swap3A_220 = arith.constant 256 : index
    %swap3A_221 = tpu.vector_load %arg9[%swap3A_220] {strides = array<i32>} : memref<512xi32, #tpu.memory_space<vmem>>, vector<16xi32>,
    tpu.vector_store %arg9[%swap3A_220], %add3A_219 {strides = array<i32>} : memref<512xi32, #tpu.memory_space<vmem>>, vector<16xi32>,
    %add3A_222 = arith.constant 272 : i32
    %add3A_223 = vector.broadcast %add3A_222 : i32 to vector<16xi32>
    %add3A_224 = arith.addi %iota3A, %add3A_223 : vector<16xi32>
    %swap3A_225 = arith.constant 272 : index
    %swap3A_226 = tpu.vector_load %arg9[%swap3A_225] {strides = array<i32>} : memref<512xi32, #tpu.memory_space<vmem>>, vector<16xi32>,
    tpu.vector_store %arg9[%swap3A_225], %add3A_224 {strides = array<i32>} : memref<512xi32, #tpu.memory_space<vmem>>, vector<16xi32>,
    %add3A_227 = arith.constant 288 : i32
    %add3A_228 = vector.broadcast %add3A_227 : i32 to vector<16xi32>
    %add3A_229 = arith.addi %iota3A, %add3A_228 : vector<16xi32>
    %swap3A_230 = arith.constant 288 : index
    %swap3A_231 = tpu.vector_load %arg9[%swap3A_230] {strides = array<i32>} : memref<512xi32, #tpu.memory_space<vmem>>, vector<16xi32>,
    tpu.vector_store %arg9[%swap3A_230], %add3A_229 {strides = array<i32>} : memref<512xi32, #tpu.memory_space<vmem>>, vector<16xi32>,
    %add3A_232 = arith.constant 304 : i32
    %add3A_233 = vector.broadcast %add3A_232 : i32 to vector<16xi32>
    %add3A_234 = arith.addi %iota3A, %add3A_233 : vector<16xi32>
    %swap3A_235 = arith.constant 304 : index
    %swap3A_236 = tpu.vector_load %arg9[%swap3A_235] {strides = array<i32>} : memref<512xi32, #tpu.memory_space<vmem>>, vector<16xi32>,
    tpu.vector_store %arg9[%swap3A_235], %add3A_234 {strides = array<i32>} : memref<512xi32, #tpu.memory_space<vmem>>, vector<16xi32>,
    %add3A_237 = arith.constant 320 : i32
    %add3A_238 = vector.broadcast %add3A_237 : i32 to vector<16xi32>
    %add3A_239 = arith.addi %iota3A, %add3A_238 : vector<16xi32>
    %swap3A_240 = arith.constant 320 : index
    %swap3A_241 = tpu.vector_load %arg9[%swap3A_240] {strides = array<i32>} : memref<512xi32, #tpu.memory_space<vmem>>, vector<16xi32>,
    tpu.vector_store %arg9[%swap3A_240], %add3A_239 {strides = array<i32>} : memref<512xi32, #tpu.memory_space<vmem>>, vector<16xi32>,
    %add3A_242 = arith.constant 336 : i32
    %add3A_243 = vector.broadcast %add3A_242 : i32 to vector<16xi32>
    %add3A_244 = arith.addi %iota3A, %add3A_243 : vector<16xi32>
    %swap3A_245 = arith.constant 336 : index
    %swap3A_246 = tpu.vector_load %arg9[%swap3A_245] {strides = array<i32>} : memref<512xi32, #tpu.memory_space<vmem>>, vector<16xi32>,
    tpu.vector_store %arg9[%swap3A_245], %add3A_244 {strides = array<i32>} : memref<512xi32, #tpu.memory_space<vmem>>, vector<16xi32>,
    %add3A_247 = arith.constant 352 : i32
    %add3A_248 = vector.broadcast %add3A_247 : i32 to vector<16xi32>
    %add3A_249 = arith.addi %iota3A, %add3A_248 : vector<16xi32>
    %swap3A_250 = arith.constant 352 : index
    %swap3A_251 = tpu.vector_load %arg9[%swap3A_250] {strides = array<i32>} : memref<512xi32, #tpu.memory_space<vmem>>, vector<16xi32>,
    tpu.vector_store %arg9[%swap3A_250], %add3A_249 {strides = array<i32>} : memref<512xi32, #tpu.memory_space<vmem>>, vector<16xi32>,
    %add3A_252 = arith.constant 368 : i32
    %add3A_253 = vector.broadcast %add3A_252 : i32 to vector<16xi32>
    %add3A_254 = arith.addi %iota3A, %add3A_253 : vector<16xi32>
    %swap3A_255 = arith.constant 368 : index
    %swap3A_256 = tpu.vector_load %arg9[%swap3A_255] {strides = array<i32>} : memref<512xi32, #tpu.memory_space<vmem>>, vector<16xi32>,
    tpu.vector_store %arg9[%swap3A_255], %add3A_254 {strides = array<i32>} : memref<512xi32, #tpu.memory_space<vmem>>, vector<16xi32>,
    %add3A_257 = arith.constant 384 : i32
    %add3A_258 = vector.broadcast %add3A_257 : i32 to vector<16xi32>
    %add3A_259 = arith.addi %iota3A, %add3A_258 : vector<16xi32>
    %swap3A_260 = arith.constant 384 : index
    %swap3A_261 = tpu.vector_load %arg9[%swap3A_260] {strides = array<i32>} : memref<512xi32, #tpu.memory_space<vmem>>, vector<16xi32>,
    tpu.vector_store %arg9[%swap3A_260], %add3A_259 {strides = array<i32>} : memref<512xi32, #tpu.memory_space<vmem>>, vector<16xi32>,
    %add3A_262 = arith.constant 400 : i32
    %add3A_263 = vector.broadcast %add3A_262 : i32 to vector<16xi32>
    %add3A_264 = arith.addi %iota3A, %add3A_263 : vector<16xi32>
    %swap3A_265 = arith.constant 400 : index
    %swap3A_266 = tpu.vector_load %arg9[%swap3A_265] {strides = array<i32>} : memref<512xi32, #tpu.memory_space<vmem>>, vector<16xi32>,
    tpu.vector_store %arg9[%swap3A_265], %add3A_264 {strides = array<i32>} : memref<512xi32, #tpu.memory_space<vmem>>, vector<16xi32>,
    %add3A_267 = arith.constant 416 : i32
    %add3A_268 = vector.broadcast %add3A_267 : i32 to vector<16xi32>
    %add3A_269 = arith.addi %iota3A, %add3A_268 : vector<16xi32>
    %swap3A_270 = arith.constant 416 : index
    %swap3A_271 = tpu.vector_load %arg9[%swap3A_270] {strides = array<i32>} : memref<512xi32, #tpu.memory_space<vmem>>, vector<16xi32>,
    tpu.vector_store %arg9[%swap3A_270], %add3A_269 {strides = array<i32>} : memref<512xi32, #tpu.memory_space<vmem>>, vector<16xi32>,
    %add3A_272 = arith.constant 432 : i32
    %add3A_273 = vector.broadcast %add3A_272 : i32 to vector<16xi32>
    %add3A_274 = arith.addi %iota3A, %add3A_273 : vector<16xi32>
    %swap3A_275 = arith.constant 432 : index
    %swap3A_276 = tpu.vector_load %arg9[%swap3A_275] {strides = array<i32>} : memref<512xi32, #tpu.memory_space<vmem>>, vector<16xi32>,
    tpu.vector_store %arg9[%swap3A_275], %add3A_274 {strides = array<i32>} : memref<512xi32, #tpu.memory_space<vmem>>, vector<16xi32>,
    %add3A_277 = arith.constant 448 : i32
    %add3A_278 = vector.broadcast %add3A_277 : i32 to vector<16xi32>
    %add3A_279 = arith.addi %iota3A, %add3A_278 : vector<16xi32>
    %swap3A_280 = arith.constant 448 : index
    %swap3A_281 = tpu.vector_load %arg9[%swap3A_280] {strides = array<i32>} : memref<512xi32, #tpu.memory_space<vmem>>, vector<16xi32>,
    tpu.vector_store %arg9[%swap3A_280], %add3A_279 {strides = array<i32>} : memref<512xi32, #tpu.memory_space<vmem>>, vector<16xi32>,
    %add3A_282 = arith.constant 464 : i32
    %add3A_283 = vector.broadcast %add3A_282 : i32 to vector<16xi32>
    %add3A_284 = arith.addi %iota3A, %add3A_283 : vector<16xi32>
    %swap3A_285 = arith.constant 464 : index
    %swap3A_286 = tpu.vector_load %arg9[%swap3A_285] {strides = array<i32>} : memref<512xi32, #tpu.memory_space<vmem>>, vector<16xi32>,
    tpu.vector_store %arg9[%swap3A_285], %add3A_284 {strides = array<i32>} : memref<512xi32, #tpu.memory_space<vmem>>, vector<16xi32>,
    %add3A_287 = arith.constant 480 : i32
    %add3A_288 = vector.broadcast %add3A_287 : i32 to vector<16xi32>
    %add3A_289 = arith.addi %iota3A, %add3A_288 : vector<16xi32>
    %swap3A_290 = arith.constant 480 : index
    %swap3A_291 = tpu.vector_load %arg9[%swap3A_290] {strides = array<i32>} : memref<512xi32, #tpu.memory_space<vmem>>, vector<16xi32>,
    tpu.vector_store %arg9[%swap3A_290], %add3A_289 {strides = array<i32>} : memref<512xi32, #tpu.memory_space<vmem>>, vector<16xi32>,
    %add3A_292 = arith.constant 496 : i32
    %add3A_293 = vector.broadcast %add3A_292 : i32 to vector<16xi32>
    %add3A_294 = arith.addi %iota3A, %add3A_293 : vector<16xi32>
    %swap3A_295 = arith.constant 496 : index
    %swap3A_296 = tpu.vector_load %arg9[%swap3A_295] {strides = array<i32>} : memref<512xi32, #tpu.memory_space<vmem>>, vector<16xi32>,
    tpu.vector_store %arg9[%swap3A_295], %add3A_294 {strides = array<i32>} : memref<512xi32, #tpu.memory_space<vmem>>, vector<16xi32>,
    %eq3A = arith.constant 0 : i32
    %eq3A_297 = arith.cmpi eq, %arg1, %eq3A : i32
    %convert_element_type3A = arith.extui %eq3A_297 : i1 to i32
    %cond3A = arith.constant 0 : i32
    %cond3A_298 = arith.cmpi ne, %convert_element_type3A, %cond3A : i32
    scf.if %cond3A_298 {
      "tpu.region"() ({
        %run_scoped3A = tpu.sem_alloc : memref<!tpu.dma_semaphore, #tpu.memory_space<semaphore_mem>>
        %dma_start3A = arith.constant 0 : i32
        %dma_start3A_362 = tpu.memref_slice %arg7[%dma_start3A] : memref<528xf32, #tpu.memory_space<vmem>> -> memref<512xf32, #tpu.memory_space<vmem>>
        %dma_start3A_363 = arith.constant 0 : i32
        %dma_start3A_364 = tpu.memref_slice %arg7[%dma_start3A_363] : memref<528xf32, #tpu.memory_space<vmem>> -> memref<512xf32, #tpu.memory_space<vmem>>
        tpu.enqueue_dma source(%dma_start3A_364 : memref<512xf32, #tpu.memory_space<vmem>>) target(%arg8 : memref<512xf32, #tpu.memory_space<vmem_shared>>) target_semaphore(%run_scoped3A : memref<!tpu.dma_semaphore, #tpu.memory_space<semaphore_mem>>)
        %dma_wait3A = arith.constant 0 : i32
        %dma_wait3A_365 = tpu.memref_slice %arg7[%dma_wait3A] : memref<528xf32, #tpu.memory_space<vmem>> -> memref<512xf32, #tpu.memory_space<vmem>>
        %dma_wait3A_366 = arith.constant 0 : i32
        %dma_wait3A_367 = tpu.memref_slice %arg7[%dma_wait3A_366] : memref<528xf32, #tpu.memory_space<vmem>> -> memref<512xf32, #tpu.memory_space<vmem>>
        tpu.wait_dma2 semaphore(%run_scoped3A : memref<!tpu.dma_semaphore, #tpu.memory_space<semaphore_mem>>) src(%dma_wait3A_367 : memref<512xf32, #tpu.memory_space<vmem>>) dst(%arg8 : memref<512xf32, #tpu.memory_space<vmem_shared>>)
        tpu.yield
      }) : () -> ()
    } else {
    }
    %barrier3A = arith.constant 0 : index
    tpu.barrier barrier_id(%barrier3A)
    %add3A_299 = arith.constant 1 : i32
    %add3A_300 = vector.broadcast %add3A_299 : i32 to vector<16xi32>
    %add3A_301 = arith.addi %iota3A, %add3A_300 : vector<16xi32>
    %and3A = arith.constant 15 : i32
    %and3A_302 = vector.broadcast %and3A : i32 to vector<16xi32>
    %and3A_303 = arith.andi %add3A_301, %and3A_302 : vector<16xi32>
    %broadcast_in_dim3A_304 = arith.constant 15 : i32
    %broadcast_in_dim3A_305 = vector.broadcast %broadcast_in_dim3A_304 : i32 to vector<16xi32>
    %broadcast_in_dim3A_306 = arith.constant 0 : i32
    %broadcast_in_dim3A_307 = vector.broadcast %broadcast_in_dim3A_306 : i32 to vector<16xi32>
    %broadcast_in_dim3A_308 = arith.constant 0.000000e+00 : f32
    %broadcast_in_dim3A_309 = vector.broadcast %broadcast_in_dim3A_308 : f32 to vector<16xf32>
    %scan3A = arith.constant 0 : i32
    %scan3A_310 = arith.constant 156 : i32
    %scan3A_311 = arith.addi %scan3A, %scan3A_310 : i32
    %scan3A_312 = arith.constant 1 : i32
    %scan3A_313 = scf.for %scan3A_362 = %scan3A to %scan3A_311 step %scan3A_312 iter_args(%scan3A_363 = %broadcast_in_dim3A_309) -> (vector<16xf32>)  : i32 {
      %mul3A_364 = arith.constant 64 : i32
      %mul3A_365 = arith.muli %scan3A_362, %mul3A_364 : i32
      %get3A_366 = arith.index_cast %mul3A_365 : i32 to index
      %get3A_367 = tpu.vector_load %arg6[%get3A_366] {strides = array<i32>} : memref<10016xi32, #tpu.memory_space<vmem>>, vector<16xi32>,
      %add3A_368 = arith.constant 64 : i32
      %add3A_369 = arith.addi %mul3A_365, %add3A_368 : i32
      %get3A_370 = arith.index_cast %add3A_369 : i32 to index
      %get3A_371 = tpu.vector_load %arg6[%get3A_370] {strides = array<i32>} : memref<10016xi32, #tpu.memory_space<vmem>>, vector<16xi32>,
      %ne3A_372 = arith.cmpi ne, %get3A_367, %get3A_371 : vector<16xi32>
      %reduce_or3A = arith.constant 1.000000e+00 : f32
      %reduce_or3A_373 = arith.constant 0.000000e+00 : f32
      %reduce_or3A_374 = vector.broadcast %reduce_or3A : f32 to vector<16xf32>
      %reduce_or3A_375 = vector.broadcast %reduce_or3A_373 : f32 to vector<16xf32>
      %reduce_or3A_376 = arith.select %ne3A_372, %reduce_or3A_374, %reduce_or3A_375 : vector<16xi1>, vector<16xf32>
      %reduce_or3A_377 = arith.constant true
      %reduce_or3A_378 = vector.broadcast %reduce_or3A_377 : i1 to vector<16xi1>
      %reduce_or3A_379 = tpu.scan <max>, %reduce_or3A_376 masked %reduce_or3A_378 : vector<16xf32>, vector<16xi1> -> vector<16xf32>
      %reduce_or3A_380 = vector.extract %reduce_or3A_379[15] : f32 from vector<16xf32>
      %reduce_or3A_381 = arith.constant 0.000000e+00 : f32
      %reduce_or3A_382 = arith.cmpf ogt, %reduce_or3A_380, %reduce_or3A_381 : f32
      %convert_element_type3A_383 = arith.extui %reduce_or3A_382 : i1 to i32
      %cond3A_384 = arith.constant 0 : i32
      %cond3A_385 = arith.cmpi ne, %convert_element_type3A_383, %cond3A_384 : i32
      %cond3A_386 = scf.if %cond3A_385 -> (vector<16xf32>) {
        %add3A_387 = arith.constant 0 : i32
        %add3A_388 = arith.addi %mul3A_365, %add3A_387 : i32
        %get3A_389 = arith.index_cast %add3A_388 : i32 to index
        %get3A_390 = tpu.vector_load %arg5[%get3A_389] {strides = array<i32>} : memref<10000xf32, #tpu.memory_space<vmem>>, vector<16xf32>,
        %get3A_391 = arith.index_cast %add3A_388 : i32 to index
        %get3A_392 = tpu.vector_load %arg6[%get3A_391] {strides = array<i32>} : memref<10016xi32, #tpu.memory_space<vmem>>, vector<16xi32>,
        %add3A_393 = arith.constant 16 : i32
        %add3A_394 = arith.addi %add3A_388, %add3A_393 : i32
        %get3A_395 = arith.index_cast %add3A_394 : i32 to index
        %get3A_396 = tpu.vector_load %arg6[%get3A_395] {strides = array<i32>} : memref<10016xi32, #tpu.memory_space<vmem>>, vector<16xi32>,
        %eq3A_397 = arith.constant 15 : i32
        %eq3A_398 = vector.broadcast %eq3A_397 : i32 to vector<16xi32>
        %eq3A_399 = arith.cmpi eq, %iota3A, %eq3A_398 : vector<16xi32>
        %lt3A_400 = arith.constant 0 : i32
        %lt3A_401 = vector.broadcast %lt3A_400 : i32 to vector<16xi32>
        %lt3A_402 = arith.cmpi slt, %broadcast_in_dim3A_307, %lt3A_401 : vector<16xi32>
        %add3A_403 = arith.constant 16 : i32
        %add3A_404 = vector.broadcast %add3A_403 : i32 to vector<16xi32>
        %add3A_405 = arith.addi %broadcast_in_dim3A_307, %add3A_404 : vector<16xi32>
        %select_n3A_406 = arith.select %lt3A_402, %add3A_405, %broadcast_in_dim3A_307 : vector<16xi1>, vector<16xi32>
        %broadcast_in_dim3A_407 = vector.shape_cast %select_n3A_406 : vector<16xi32> to vector<16x1xi32>
        %gather3A_408 = vector.shape_cast %broadcast_in_dim3A_407 : vector<16x1xi32> to vector<16xi32>
        %gather3A_409 = tpu.dynamic_gather %get3A_396[%gather3A_408] in [0] : vector<16xi32>, vector<16xi32> -> vector<16xi32>
        %lt3A_410 = arith.constant 0 : i32
        %lt3A_411 = vector.broadcast %lt3A_410 : i32 to vector<16xi32>
        %lt3A_412 = arith.cmpi slt, %and3A_303, %lt3A_411 : vector<16xi32>
        %add3A_413 = arith.constant 16 : i32
        %add3A_414 = vector.broadcast %add3A_413 : i32 to vector<16xi32>
        %add3A_415 = arith.addi %and3A_303, %add3A_414 : vector<16xi32>
        %select_n3A_416 = arith.select %lt3A_412, %add3A_415, %and3A_303 : vector<16xi1>, vector<16xi32>
        %broadcast_in_dim3A_417 = vector.shape_cast %select_n3A_416 : vector<16xi32> to vector<16x1xi32>
        %gather3A_418 = vector.shape_cast %broadcast_in_dim3A_417 : vector<16x1xi32> to vector<16xi32>
        %gather3A_419 = tpu.dynamic_gather %get3A_392[%gather3A_418] in [0] : vector<16xi32>, vector<16xi32> -> vector<16xi32>
        %select_n3A_420 = arith.select %eq3A_399, %gather3A_409, %gather3A_419 : vector<16xi1>, vector<16xi32>
        %broadcast_in_dim3A_421 = arith.constant true
        %broadcast_in_dim3A_422 = vector.broadcast %broadcast_in_dim3A_421 : i1 to vector<16xi1>
        %masked_cumsum3A_423 = tpu.scan <sum>, %get3A_390 masked %broadcast_in_dim3A_422 : vector<16xf32>, vector<16xi1> -> vector<16xf32>
        %add3A_424 = arith.addf %masked_cumsum3A_423, %scan3A_363 : vector<16xf32>
        %ne3A_425 = arith.cmpi ne, %get3A_392, %select_n3A_420 : vector<16xi32>
        tpu.vector_store_idx %arg7[%get3A_392], %add3A_424 masked %ne3A_425 {add = true} : memref<528xf32, #tpu.memory_space<vmem>>[vector<16xi32>], vector<16xf32>, vector<16xi1>
        %neg3A_426 = arith.constant 0.000000e+00 : f32
        %neg3A_427 = vector.broadcast %neg3A_426 : f32 to vector<16xf32>
        %neg3A_428 = arith.subf %neg3A_427, %add3A_424 : vector<16xf32>
        tpu.vector_store_idx %arg7[%select_n3A_420], %neg3A_428 masked %ne3A_425 {add = true} : memref<528xf32, #tpu.memory_space<vmem>>[vector<16xi32>], vector<16xf32>, vector<16xi1>
        %lt3A_429 = arith.constant 0 : i32
        %lt3A_430 = vector.broadcast %lt3A_429 : i32 to vector<16xi32>
        %lt3A_431 = arith.cmpi slt, %broadcast_in_dim3A_305, %lt3A_430 : vector<16xi32>
        %add3A_432 = arith.constant 16 : i32
        %add3A_433 = vector.broadcast %add3A_432 : i32 to vector<16xi32>
        %add3A_434 = arith.addi %broadcast_in_dim3A_305, %add3A_433 : vector<16xi32>
        %select_n3A_435 = arith.select %lt3A_431, %add3A_434, %broadcast_in_dim3A_305 : vector<16xi1>, vector<16xi32>
        %broadcast_in_dim3A_436 = vector.shape_cast %select_n3A_435 : vector<16xi32> to vector<16x1xi32>
        %gather3A_437 = vector.shape_cast %broadcast_in_dim3A_436 : vector<16x1xi32> to vector<16xi32>
        %gather3A_438 = tpu.dynamic_gather %add3A_424[%gather3A_437] in [0] : vector<16xf32>, vector<16xi32> -> vector<16xf32>
        %add3A_439 = arith.constant 16 : i32
        %add3A_440 = arith.addi %mul3A_365, %add3A_439 : i32
        %get3A_441 = arith.index_cast %add3A_440 : i32 to index
        %get3A_442 = tpu.vector_load %arg5[%get3A_441] {strides = array<i32>} : memref<10000xf32, #tpu.memory_space<vmem>>, vector<16xf32>,
        %get3A_443 = arith.index_cast %add3A_440 : i32 to index
        %get3A_444 = tpu.vector_load %arg6[%get3A_443] {strides = array<i32>} : memref<10016xi32, #tpu.memory_space<vmem>>, vector<16xi32>,
        %add3A_445 = arith.constant 16 : i32
        %add3A_446 = arith.addi %add3A_440, %add3A_445 : i32
        %get3A_447 = arith.index_cast %add3A_446 : i32 to index
        %get3A_448 = tpu.vector_load %arg6[%get3A_447] {strides = array<i32>} : memref<10016xi32, #tpu.memory_space<vmem>>, vector<16xi32>,
        %eq3A_449 = arith.constant 15 : i32
        %eq3A_450 = vector.broadcast %eq3A_449 : i32 to vector<16xi32>
        %eq3A_451 = arith.cmpi eq, %iota3A, %eq3A_450 : vector<16xi32>
        %lt3A_452 = arith.constant 0 : i32
        %lt3A_453 = vector.broadcast %lt3A_452 : i32 to vector<16xi32>
        %lt3A_454 = arith.cmpi slt, %broadcast_in_dim3A_307, %lt3A_453 : vector<16xi32>
        %add3A_455 = arith.constant 16 : i32
        %add3A_456 = vector.broadcast %add3A_455 : i32 to vector<16xi32>
        %add3A_457 = arith.addi %broadcast_in_dim3A_307, %add3A_456 : vector<16xi32>
        %select_n3A_458 = arith.select %lt3A_454, %add3A_457, %broadcast_in_dim3A_307 : vector<16xi1>, vector<16xi32>
        %broadcast_in_dim3A_459 = vector.shape_cast %select_n3A_458 : vector<16xi32> to vector<16x1xi32>
        %gather3A_460 = vector.shape_cast %broadcast_in_dim3A_459 : vector<16x1xi32> to vector<16xi32>
        %gather3A_461 = tpu.dynamic_gather %get3A_448[%gather3A_460] in [0] : vector<16xi32>, vector<16xi32> -> vector<16xi32>
        %lt3A_462 = arith.constant 0 : i32
        %lt3A_463 = vector.broadcast %lt3A_462 : i32 to vector<16xi32>
        %lt3A_464 = arith.cmpi slt, %and3A_303, %lt3A_463 : vector<16xi32>
        %add3A_465 = arith.constant 16 : i32
        %add3A_466 = vector.broadcast %add3A_465 : i32 to vector<16xi32>
        %add3A_467 = arith.addi %and3A_303, %add3A_466 : vector<16xi32>
        %select_n3A_468 = arith.select %lt3A_464, %add3A_467, %and3A_303 : vector<16xi1>, vector<16xi32>
        %broadcast_in_dim3A_469 = vector.shape_cast %select_n3A_468 : vector<16xi32> to vector<16x1xi32>
        %gather3A_470 = vector.shape_cast %broadcast_in_dim3A_469 : vector<16x1xi32> to vector<16xi32>
        %gather3A_471 = tpu.dynamic_gather %get3A_444[%gather3A_470] in [0] : vector<16xi32>, vector<16xi32> -> vector<16xi32>
        %select_n3A_472 = arith.select %eq3A_451, %gather3A_461, %gather3A_471 : vector<16xi1>, vector<16xi32>
        %broadcast_in_dim3A_473 = arith.constant true
        %broadcast_in_dim3A_474 = vector.broadcast %broadcast_in_dim3A_473 : i1 to vector<16xi1>
        %masked_cumsum3A_475 = tpu.scan <sum>, %get3A_442 masked %broadcast_in_dim3A_474 : vector<16xf32>, vector<16xi1> -> vector<16xf32>
        %add3A_476 = arith.addf %masked_cumsum3A_475, %gather3A_438 : vector<16xf32>
        %ne3A_477 = arith.cmpi ne, %get3A_444, %select_n3A_472 : vector<16xi32>
        tpu.vector_store_idx %arg7[%get3A_444], %add3A_476 masked %ne3A_477 {add = true} : memref<528xf32, #tpu.memory_space<vmem>>[vector<16xi32>], vector<16xf32>, vector<16xi1>
        %neg3A_478 = arith.constant 0.000000e+00 : f32
        %neg3A_479 = vector.broadcast %neg3A_478 : f32 to vector<16xf32>
        %neg3A_480 = arith.subf %neg3A_479, %add3A_476 : vector<16xf32>
        tpu.vector_store_idx %arg7[%select_n3A_472], %neg3A_480 masked %ne3A_477 {add = true} : memref<528xf32, #tpu.memory_space<vmem>>[vector<16xi32>], vector<16xf32>, vector<16xi1>
        %lt3A_481 = arith.constant 0 : i32
        %lt3A_482 = vector.broadcast %lt3A_481 : i32 to vector<16xi32>
        %lt3A_483 = arith.cmpi slt, %broadcast_in_dim3A_305, %lt3A_482 : vector<16xi32>
        %add3A_484 = arith.constant 16 : i32
        %add3A_485 = vector.broadcast %add3A_484 : i32 to vector<16xi32>
        %add3A_486 = arith.addi %broadcast_in_dim3A_305, %add3A_485 : vector<16xi32>
        %select_n3A_487 = arith.select %lt3A_483, %add3A_486, %broadcast_in_dim3A_305 : vector<16xi1>, vector<16xi32>
        %broadcast_in_dim3A_488 = vector.shape_cast %select_n3A_487 : vector<16xi32> to vector<16x1xi32>
        %gather3A_489 = vector.shape_cast %broadcast_in_dim3A_488 : vector<16x1xi32> to vector<16xi32>
        %gather3A_490 = tpu.dynamic_gather %add3A_476[%gather3A_489] in [0] : vector<16xf32>, vector<16xi32> -> vector<16xf32>
        %add3A_491 = arith.constant 32 : i32
        %add3A_492 = arith.addi %mul3A_365, %add3A_491 : i32
        %get3A_493 = arith.index_cast %add3A_492 : i32 to index
        %get3A_494 = tpu.vector_load %arg5[%get3A_493] {strides = array<i32>} : memref<10000xf32, #tpu.memory_space<vmem>>, vector<16xf32>,
        %get3A_495 = arith.index_cast %add3A_492 : i32 to index
        %get3A_496 = tpu.vector_load %arg6[%get3A_495] {strides = array<i32>} : memref<10016xi32, #tpu.memory_space<vmem>>, vector<16xi32>,
        %add3A_497 = arith.constant 16 : i32
        %add3A_498 = arith.addi %add3A_492, %add3A_497 : i32
        %get3A_499 = arith.index_cast %add3A_498 : i32 to index
        %get3A_500 = tpu.vector_load %arg6[%get3A_499] {strides = array<i32>} : memref<10016xi32, #tpu.memory_space<vmem>>, vector<16xi32>,
        %eq3A_501 = arith.constant 15 : i32
        %eq3A_502 = vector.broadcast %eq3A_501 : i32 to vector<16xi32>
        %eq3A_503 = arith.cmpi eq, %iota3A, %eq3A_502 : vector<16xi32>
        %lt3A_504 = arith.constant 0 : i32
        %lt3A_505 = vector.broadcast %lt3A_504 : i32 to vector<16xi32>
        %lt3A_506 = arith.cmpi slt, %broadcast_in_dim3A_307, %lt3A_505 : vector<16xi32>
        %add3A_507 = arith.constant 16 : i32
        %add3A_508 = vector.broadcast %add3A_507 : i32 to vector<16xi32>
        %add3A_509 = arith.addi %broadcast_in_dim3A_307, %add3A_508 : vector<16xi32>
        %select_n3A_510 = arith.select %lt3A_506, %add3A_509, %broadcast_in_dim3A_307 : vector<16xi1>, vector<16xi32>
        %broadcast_in_dim3A_511 = vector.shape_cast %select_n3A_510 : vector<16xi32> to vector<16x1xi32>
        %gather3A_512 = vector.shape_cast %broadcast_in_dim3A_511 : vector<16x1xi32> to vector<16xi32>
        %gather3A_513 = tpu.dynamic_gather %get3A_500[%gather3A_512] in [0] : vector<16xi32>, vector<16xi32> -> vector<16xi32>
        %lt3A_514 = arith.constant 0 : i32
        %lt3A_515 = vector.broadcast %lt3A_514 : i32 to vector<16xi32>
        %lt3A_516 = arith.cmpi slt, %and3A_303, %lt3A_515 : vector<16xi32>
        %add3A_517 = arith.constant 16 : i32
        %add3A_518 = vector.broadcast %add3A_517 : i32 to vector<16xi32>
        %add3A_519 = arith.addi %and3A_303, %add3A_518 : vector<16xi32>
        %select_n3A_520 = arith.select %lt3A_516, %add3A_519, %and3A_303 : vector<16xi1>, vector<16xi32>
        %broadcast_in_dim3A_521 = vector.shape_cast %select_n3A_520 : vector<16xi32> to vector<16x1xi32>
        %gather3A_522 = vector.shape_cast %broadcast_in_dim3A_521 : vector<16x1xi32> to vector<16xi32>
        %gather3A_523 = tpu.dynamic_gather %get3A_496[%gather3A_522] in [0] : vector<16xi32>, vector<16xi32> -> vector<16xi32>
        %select_n3A_524 = arith.select %eq3A_503, %gather3A_513, %gather3A_523 : vector<16xi1>, vector<16xi32>
        %broadcast_in_dim3A_525 = arith.constant true
        %broadcast_in_dim3A_526 = vector.broadcast %broadcast_in_dim3A_525 : i1 to vector<16xi1>
        %masked_cumsum3A_527 = tpu.scan <sum>, %get3A_494 masked %broadcast_in_dim3A_526 : vector<16xf32>, vector<16xi1> -> vector<16xf32>
        %add3A_528 = arith.addf %masked_cumsum3A_527, %gather3A_490 : vector<16xf32>
        %ne3A_529 = arith.cmpi ne, %get3A_496, %select_n3A_524 : vector<16xi32>
        tpu.vector_store_idx %arg7[%get3A_496], %add3A_528 masked %ne3A_529 {add = true} : memref<528xf32, #tpu.memory_space<vmem>>[vector<16xi32>], vector<16xf32>, vector<16xi1>
        %neg3A_530 = arith.constant 0.000000e+00 : f32
        %neg3A_531 = vector.broadcast %neg3A_530 : f32 to vector<16xf32>
        %neg3A_532 = arith.subf %neg3A_531, %add3A_528 : vector<16xf32>
        tpu.vector_store_idx %arg7[%select_n3A_524], %neg3A_532 masked %ne3A_529 {add = true} : memref<528xf32, #tpu.memory_space<vmem>>[vector<16xi32>], vector<16xf32>, vector<16xi1>
        %lt3A_533 = arith.constant 0 : i32
        %lt3A_534 = vector.broadcast %lt3A_533 : i32 to vector<16xi32>
        %lt3A_535 = arith.cmpi slt, %broadcast_in_dim3A_305, %lt3A_534 : vector<16xi32>
        %add3A_536 = arith.constant 16 : i32
        %add3A_537 = vector.broadcast %add3A_536 : i32 to vector<16xi32>
        %add3A_538 = arith.addi %broadcast_in_dim3A_305, %add3A_537 : vector<16xi32>
        %select_n3A_539 = arith.select %lt3A_535, %add3A_538, %broadcast_in_dim3A_305 : vector<16xi1>, vector<16xi32>
        %broadcast_in_dim3A_540 = vector.shape_cast %select_n3A_539 : vector<16xi32> to vector<16x1xi32>
        %gather3A_541 = vector.shape_cast %broadcast_in_dim3A_540 : vector<16x1xi32> to vector<16xi32>
        %gather3A_542 = tpu.dynamic_gather %add3A_528[%gather3A_541] in [0] : vector<16xf32>, vector<16xi32> -> vector<16xf32>
        %add3A_543 = arith.constant 48 : i32
        %add3A_544 = arith.addi %mul3A_365, %add3A_543 : i32
        %get3A_545 = arith.index_cast %add3A_544 : i32 to index
        %get3A_546 = tpu.vector_load %arg5[%get3A_545] {strides = array<i32>} : memref<10000xf32, #tpu.memory_space<vmem>>, vector<16xf32>,
        %get3A_547 = arith.index_cast %add3A_544 : i32 to index
        %get3A_548 = tpu.vector_load %arg6[%get3A_547] {strides = array<i32>} : memref<10016xi32, #tpu.memory_space<vmem>>, vector<16xi32>,
        %add3A_549 = arith.constant 16 : i32
        %add3A_550 = arith.addi %add3A_544, %add3A_549 : i32
        %get3A_551 = arith.index_cast %add3A_550 : i32 to index
        %get3A_552 = tpu.vector_load %arg6[%get3A_551] {strides = array<i32>} : memref<10016xi32, #tpu.memory_space<vmem>>, vector<16xi32>,
        %eq3A_553 = arith.constant 15 : i32
        %eq3A_554 = vector.broadcast %eq3A_553 : i32 to vector<16xi32>
        %eq3A_555 = arith.cmpi eq, %iota3A, %eq3A_554 : vector<16xi32>
        %lt3A_556 = arith.constant 0 : i32
        %lt3A_557 = vector.broadcast %lt3A_556 : i32 to vector<16xi32>
        %lt3A_558 = arith.cmpi slt, %broadcast_in_dim3A_307, %lt3A_557 : vector<16xi32>
        %add3A_559 = arith.constant 16 : i32
        %add3A_560 = vector.broadcast %add3A_559 : i32 to vector<16xi32>
        %add3A_561 = arith.addi %broadcast_in_dim3A_307, %add3A_560 : vector<16xi32>
        %select_n3A_562 = arith.select %lt3A_558, %add3A_561, %broadcast_in_dim3A_307 : vector<16xi1>, vector<16xi32>
        %broadcast_in_dim3A_563 = vector.shape_cast %select_n3A_562 : vector<16xi32> to vector<16x1xi32>
        %gather3A_564 = vector.shape_cast %broadcast_in_dim3A_563 : vector<16x1xi32> to vector<16xi32>
        %gather3A_565 = tpu.dynamic_gather %get3A_552[%gather3A_564] in [0] : vector<16xi32>, vector<16xi32> -> vector<16xi32>
        %lt3A_566 = arith.constant 0 : i32
        %lt3A_567 = vector.broadcast %lt3A_566 : i32 to vector<16xi32>
        %lt3A_568 = arith.cmpi slt, %and3A_303, %lt3A_567 : vector<16xi32>
        %add3A_569 = arith.constant 16 : i32
        %add3A_570 = vector.broadcast %add3A_569 : i32 to vector<16xi32>
        %add3A_571 = arith.addi %and3A_303, %add3A_570 : vector<16xi32>
        %select_n3A_572 = arith.select %lt3A_568, %add3A_571, %and3A_303 : vector<16xi1>, vector<16xi32>
        %broadcast_in_dim3A_573 = vector.shape_cast %select_n3A_572 : vector<16xi32> to vector<16x1xi32>
        %gather3A_574 = vector.shape_cast %broadcast_in_dim3A_573 : vector<16x1xi32> to vector<16xi32>
        %gather3A_575 = tpu.dynamic_gather %get3A_548[%gather3A_574] in [0] : vector<16xi32>, vector<16xi32> -> vector<16xi32>
        %select_n3A_576 = arith.select %eq3A_555, %gather3A_565, %gather3A_575 : vector<16xi1>, vector<16xi32>
        %broadcast_in_dim3A_577 = arith.constant true
        %broadcast_in_dim3A_578 = vector.broadcast %broadcast_in_dim3A_577 : i1 to vector<16xi1>
        %masked_cumsum3A_579 = tpu.scan <sum>, %get3A_546 masked %broadcast_in_dim3A_578 : vector<16xf32>, vector<16xi1> -> vector<16xf32>
        %add3A_580 = arith.addf %masked_cumsum3A_579, %gather3A_542 : vector<16xf32>
        %ne3A_581 = arith.cmpi ne, %get3A_548, %select_n3A_576 : vector<16xi32>
        tpu.vector_store_idx %arg7[%get3A_548], %add3A_580 masked %ne3A_581 {add = true} : memref<528xf32, #tpu.memory_space<vmem>>[vector<16xi32>], vector<16xf32>, vector<16xi1>
        %neg3A_582 = arith.constant 0.000000e+00 : f32
        %neg3A_583 = vector.broadcast %neg3A_582 : f32 to vector<16xf32>
        %neg3A_584 = arith.subf %neg3A_583, %add3A_580 : vector<16xf32>
        tpu.vector_store_idx %arg7[%select_n3A_576], %neg3A_584 masked %ne3A_581 {add = true} : memref<528xf32, #tpu.memory_space<vmem>>[vector<16xi32>], vector<16xf32>, vector<16xi1>
        %lt3A_585 = arith.constant 0 : i32
        %lt3A_586 = vector.broadcast %lt3A_585 : i32 to vector<16xi32>
        %lt3A_587 = arith.cmpi slt, %broadcast_in_dim3A_305, %lt3A_586 : vector<16xi32>
        %add3A_588 = arith.constant 16 : i32
        %add3A_589 = vector.broadcast %add3A_588 : i32 to vector<16xi32>
        %add3A_590 = arith.addi %broadcast_in_dim3A_305, %add3A_589 : vector<16xi32>
        %select_n3A_591 = arith.select %lt3A_587, %add3A_590, %broadcast_in_dim3A_305 : vector<16xi1>, vector<16xi32>
        %broadcast_in_dim3A_592 = vector.shape_cast %select_n3A_591 : vector<16xi32> to vector<16x1xi32>
        %gather3A_593 = vector.shape_cast %broadcast_in_dim3A_592 : vector<16x1xi32> to vector<16xi32>
        %gather3A_594 = tpu.dynamic_gather %add3A_580[%gather3A_593] in [0] : vector<16xf32>, vector<16xi32> -> vector<16xf32>
        scf.yield %gather3A_594 : vector<16xf32>
      } else {
        %get3A_387 = arith.index_cast %mul3A_365 : i32 to index
        %get3A_388 = tpu.vector_load %arg5[%get3A_387] {strides = array<i32>} : memref<10000xf32, #tpu.memory_space<vmem>>, vector<16xf32>,
        %add3A_389 = arith.constant 16 : i32
        %add3A_390 = arith.addi %mul3A_365, %add3A_389 : i32
        %get3A_391 = arith.index_cast %add3A_390 : i32 to index
        %get3A_392 = tpu.vector_load %arg5[%get3A_391] {strides = array<i32>} : memref<10000xf32, #tpu.memory_space<vmem>>, vector<16xf32>,
        %add3A_393 = arith.addf %get3A_388, %get3A_392 : vector<16xf32>
        %add3A_394 = arith.constant 32 : i32
        %add3A_395 = arith.addi %mul3A_365, %add3A_394 : i32
        %get3A_396 = arith.index_cast %add3A_395 : i32 to index
        %get3A_397 = tpu.vector_load %arg5[%get3A_396] {strides = array<i32>} : memref<10000xf32, #tpu.memory_space<vmem>>, vector<16xf32>,
        %add3A_398 = arith.addf %add3A_393, %get3A_397 : vector<16xf32>
        %add3A_399 = arith.constant 48 : i32
        %add3A_400 = arith.addi %mul3A_365, %add3A_399 : i32
        %get3A_401 = arith.index_cast %add3A_400 : i32 to index
        %get3A_402 = tpu.vector_load %arg5[%get3A_401] {strides = array<i32>} : memref<10000xf32, #tpu.memory_space<vmem>>, vector<16xf32>,
        %add3A_403 = arith.addf %add3A_398, %get3A_402 : vector<16xf32>
        %reduce_sum3A = arith.constant true
        %reduce_sum3A_404 = vector.broadcast %reduce_sum3A : i1 to vector<16xi1>
        %reduce_sum3A_405 = tpu.scan <sum>, %add3A_403 masked %reduce_sum3A_404 : vector<16xf32>, vector<16xi1> -> vector<16xf32>
        %reduce_sum3A_406 = vector.extract %reduce_sum3A_405[15] : f32 from vector<16xf32>
        %add3A_407 = vector.broadcast %reduce_sum3A_406 : f32 to vector<16xf32>
        %add3A_408 = arith.addf %scan3A_363, %add3A_407 : vector<16xf32>
        scf.yield %add3A_408 : vector<16xf32>
      }
      scf.yield %cond3A_386 : vector<16xf32>
    }
    %scan3A_314 = arith.constant 156 : i32
    %get3A = arith.constant 9984 : index
    %get3A_315 = tpu.vector_load %arg5[%get3A] {strides = array<i32>} : memref<10000xf32, #tpu.memory_space<vmem>>, vector<16xf32>,
    %get3A_316 = arith.constant 9984 : index
    %get3A_317 = tpu.vector_load %arg6[%get3A_316] {strides = array<i32>} : memref<10016xi32, #tpu.memory_space<vmem>>, vector<16xi32>,
    %get3A_318 = arith.constant 10000 : index
    %get3A_319 = tpu.vector_load %arg6[%get3A_318] {strides = array<i32>} : memref<10016xi32, #tpu.memory_space<vmem>>, vector<16xi32>,
    %eq3A_320 = arith.constant 15 : i32
    %eq3A_321 = vector.broadcast %eq3A_320 : i32 to vector<16xi32>
    %eq3A_322 = arith.cmpi eq, %iota3A, %eq3A_321 : vector<16xi32>
    %lt3A = arith.constant 0 : i32
    %lt3A_323 = vector.broadcast %lt3A : i32 to vector<16xi32>
    %lt3A_324 = arith.cmpi slt, %broadcast_in_dim3A_307, %lt3A_323 : vector<16xi32>
    %add3A_325 = arith.constant 16 : i32
    %add3A_326 = vector.broadcast %add3A_325 : i32 to vector<16xi32>
    %add3A_327 = arith.addi %broadcast_in_dim3A_307, %add3A_326 : vector<16xi32>
    %select_n3A = arith.select %lt3A_324, %add3A_327, %broadcast_in_dim3A_307 : vector<16xi1>, vector<16xi32>
    %broadcast_in_dim3A_328 = vector.shape_cast %select_n3A : vector<16xi32> to vector<16x1xi32>
    %gather3A = vector.shape_cast %broadcast_in_dim3A_328 : vector<16x1xi32> to vector<16xi32>
    %gather3A_329 = tpu.dynamic_gather %get3A_319[%gather3A] in [0] : vector<16xi32>, vector<16xi32> -> vector<16xi32>
    %lt3A_330 = arith.constant 0 : i32
    %lt3A_331 = vector.broadcast %lt3A_330 : i32 to vector<16xi32>
    %lt3A_332 = arith.cmpi slt, %and3A_303, %lt3A_331 : vector<16xi32>
    %add3A_333 = arith.constant 16 : i32
    %add3A_334 = vector.broadcast %add3A_333 : i32 to vector<16xi32>
    %add3A_335 = arith.addi %and3A_303, %add3A_334 : vector<16xi32>
    %select_n3A_336 = arith.select %lt3A_332, %add3A_335, %and3A_303 : vector<16xi1>, vector<16xi32>
    %broadcast_in_dim3A_337 = vector.shape_cast %select_n3A_336 : vector<16xi32> to vector<16x1xi32>
    %gather3A_338 = vector.shape_cast %broadcast_in_dim3A_337 : vector<16x1xi32> to vector<16xi32>
    %gather3A_339 = tpu.dynamic_gather %get3A_317[%gather3A_338] in [0] : vector<16xi32>, vector<16xi32> -> vector<16xi32>
    %select_n3A_340 = arith.select %eq3A_322, %gather3A_329, %gather3A_339 : vector<16xi1>, vector<16xi32>
    %broadcast_in_dim3A_341 = arith.constant true
    %broadcast_in_dim3A_342 = vector.broadcast %broadcast_in_dim3A_341 : i1 to vector<16xi1>
    %masked_cumsum3A = tpu.scan <sum>, %get3A_315 masked %broadcast_in_dim3A_342 : vector<16xf32>, vector<16xi1> -> vector<16xf32>
    %add3A_343 = arith.addf %masked_cumsum3A, %scan3A_313 : vector<16xf32>
    %ne3A = arith.cmpi ne, %get3A_317, %select_n3A_340 : vector<16xi32>
    tpu.vector_store_idx %arg7[%get3A_317], %add3A_343 masked %ne3A {add = true} : memref<528xf32, #tpu.memory_space<vmem>>[vector<16xi32>], vector<16xf32>, vector<16xi1>
    %neg3A = arith.constant 0.000000e+00 : f32
    %neg3A_344 = vector.broadcast %neg3A : f32 to vector<16xf32>
    %neg3A_345 = arith.subf %neg3A_344, %add3A_343 : vector<16xf32>
    tpu.vector_store_idx %arg7[%select_n3A_340], %neg3A_345 masked %ne3A {add = true} : memref<528xf32, #tpu.memory_space<vmem>>[vector<16xi32>], vector<16xf32>, vector<16xi1>
    %lt3A_346 = arith.constant 0 : i32
    %lt3A_347 = vector.broadcast %lt3A_346 : i32 to vector<16xi32>
    %lt3A_348 = arith.cmpi slt, %broadcast_in_dim3A_305, %lt3A_347 : vector<16xi32>
    %add3A_349 = arith.constant 16 : i32
    %add3A_350 = vector.broadcast %add3A_349 : i32 to vector<16xi32>
    %add3A_351 = arith.addi %broadcast_in_dim3A_305, %add3A_350 : vector<16xi32>
    %select_n3A_352 = arith.select %lt3A_348, %add3A_351, %broadcast_in_dim3A_305 : vector<16xi1>, vector<16xi32>
    %broadcast_in_dim3A_353 = vector.shape_cast %select_n3A_352 : vector<16xi32> to vector<16x1xi32>
    %gather3A_354 = vector.shape_cast %broadcast_in_dim3A_353 : vector<16x1xi32> to vector<16xi32>
    %gather3A_355 = tpu.dynamic_gather %add3A_343[%gather3A_354] in [0] : vector<16xf32>, vector<16xi32> -> vector<16xf32>
    "tpu.region"() ({
      %run_scoped3A = tpu.sem_alloc : memref<!tpu.dma_semaphore, #tpu.memory_space<semaphore_mem>>
      %dma_start3A = arith.constant 0 : i32
      %dma_start3A_362 = tpu.memref_slice %arg7[%dma_start3A] : memref<528xf32, #tpu.memory_space<vmem>> -> memref<512xf32, #tpu.memory_space<vmem>>
      %dma_start3A_363 = arith.constant 0 : i32
      %dma_start3A_364 = tpu.memref_slice %arg8[%dma_start3A_363] : memref<512xf32, #tpu.memory_space<vmem_shared>> -> memref<512xf32, #tpu.memory_space<vmem_shared>>
      tpu.enqueue_indirect_dma source(%dma_start3A_362 : memref<512xf32, #tpu.memory_space<vmem>>) target(%dma_start3A_364 : memref<512xf32, #tpu.memory_space<vmem_shared>>) offsets(%arg9 : memref<512xi32, #tpu.memory_space<vmem>>) semaphore(%run_scoped3A : memref<!tpu.dma_semaphore, #tpu.memory_space<semaphore_mem>>) {add = true}
      %dma_wait3A = arith.constant 0 : i32
      %dma_wait3A_365 = tpu.memref_slice %arg7[%dma_wait3A] : memref<528xf32, #tpu.memory_space<vmem>> -> memref<512xf32, #tpu.memory_space<vmem>>
      %dma_wait3A_366 = arith.constant 0 : i32
      %dma_wait3A_367 = tpu.memref_slice %arg8[%dma_wait3A_366] : memref<512xf32, #tpu.memory_space<vmem_shared>> -> memref<512xf32, #tpu.memory_space<vmem_shared>>
      tpu.wait_indirect_dma semaphore(%run_scoped3A : memref<!tpu.dma_semaphore, #tpu.memory_space<semaphore_mem>>) src(%dma_wait3A_365 : memref<512xf32, #tpu.memory_space<vmem>>) dst(%dma_wait3A_367 : memref<512xf32, #tpu.memory_space<vmem_shared>>)
      tpu.yield
    }) : () -> ()
    %barrier3A_356 = arith.constant 0 : index
    tpu.barrier barrier_id(%barrier3A_356)
    %eq3A_357 = arith.constant 0 : i32
    %eq3A_358 = arith.cmpi eq, %arg1, %eq3A_357 : i32
    %convert_element_type3A_359 = arith.extui %eq3A_358 : i1 to i32
    %cond3A_360 = arith.constant 0 : i32
    %cond3A_361 = arith.cmpi ne, %convert_element_type3A_359, %cond3A_360 : i32
    scf.if %cond3A_361 {
      "tpu.region"() ({
        %run_scoped3A = tpu.sem_alloc : memref<!tpu.dma_semaphore, #tpu.memory_space<semaphore_mem>>
        %dma_start3A = arith.constant 0 : i32
        %dma_start3A_362 = tpu.memref_slice %arg7[%dma_start3A] : memref<528xf32, #tpu.memory_space<vmem>> -> memref<512xf32, #tpu.memory_space<vmem>>
        %dma_start3A_363 = arith.constant 0 : i32
        %dma_start3A_364 = tpu.memref_slice %arg7[%dma_start3A_363] : memref<528xf32, #tpu.memory_space<vmem>> -> memref<512xf32, #tpu.memory_space<vmem>>
        tpu.enqueue_dma source(%arg8 : memref<512xf32, #tpu.memory_space<vmem_shared>>) target(%dma_start3A_364 : memref<512xf32, #tpu.memory_space<vmem>>) target_semaphore(%run_scoped3A : memref<!tpu.dma_semaphore, #tpu.memory_space<semaphore_mem>>)
        %dma_wait3A = arith.constant 0 : i32
        %dma_wait3A_365 = tpu.memref_slice %arg7[%dma_wait3A] : memref<528xf32, #tpu.memory_space<vmem>> -> memref<512xf32, #tpu.memory_space<vmem>>
        %dma_wait3A_366 = arith.constant 0 : i32
        %dma_wait3A_367 = tpu.memref_slice %arg7[%dma_wait3A_366] : memref<528xf32, #tpu.memory_space<vmem>> -> memref<512xf32, #tpu.memory_space<vmem>>
        tpu.wait_dma2 semaphore(%run_scoped3A : memref<!tpu.dma_semaphore, #tpu.memory_space<semaphore_mem>>) src(%arg8 : memref<512xf32, #tpu.memory_space<vmem_shared>>) dst(%dma_wait3A_367 : memref<512xf32, #tpu.memory_space<vmem>>)
        tpu.yield
      }) : () -> ()
      "tpu.region"() ({
        %run_scoped3A = tpu.sem_alloc : memref<!tpu.dma_semaphore, #tpu.memory_space<semaphore_mem>>
        %dma_start3A = arith.constant 0 : i32
        %dma_start3A_362 = tpu.memref_slice %arg7[%dma_start3A] : memref<528xf32, #tpu.memory_space<vmem>> -> memref<512xf32, #tpu.memory_space<vmem>>
        %dma_start3A_363 = arith.constant 0 : i32
        %dma_start3A_364 = tpu.memref_slice %arg4[%arg0, %dma_start3A_363] : memref<2x512xf32, #tpu.memory_space<hbm>> -> memref<1x512xf32, #tpu.memory_space<hbm>>
        %dma_start3A_365 = tpu.memref_squeeze %dma_start3A_364 : memref<1x512xf32, #tpu.memory_space<hbm>> -> memref<512xf32, #tpu.memory_space<hbm>>
        %dma_start3A_366 = arith.constant 0 : i32
        %dma_start3A_367 = tpu.memref_slice %arg4[%arg0, %dma_start3A_366] : memref<2x512xf32, #tpu.memory_space<hbm>> -> memref<1x512xf32, #tpu.memory_space<hbm>>
        %dma_start3A_368 = tpu.memref_squeeze %dma_start3A_367 : memref<1x512xf32, #tpu.memory_space<hbm>> -> memref<512xf32, #tpu.memory_space<hbm>>
        %dma_start3A_369 = arith.constant 0 : i32
        %dma_start3A_370 = tpu.memref_slice %arg7[%dma_start3A_369] : memref<528xf32, #tpu.memory_space<vmem>> -> memref<512xf32, #tpu.memory_space<vmem>>
        tpu.enqueue_dma source(%dma_start3A_370 : memref<512xf32, #tpu.memory_space<vmem>>) target(%dma_start3A_368 : memref<512xf32, #tpu.memory_space<hbm>>) target_semaphore(%run_scoped3A : memref<!tpu.dma_semaphore, #tpu.memory_space<semaphore_mem>>)
        %dma_wait3A = arith.constant 0 : i32
        %dma_wait3A_371 = tpu.memref_slice %arg7[%dma_wait3A] : memref<528xf32, #tpu.memory_space<vmem>> -> memref<512xf32, #tpu.memory_space<vmem>>
        %dma_wait3A_372 = arith.constant 0 : i32
        %dma_wait3A_373 = tpu.memref_slice %arg4[%arg0, %dma_wait3A_372] : memref<2x512xf32, #tpu.memory_space<hbm>> -> memref<1x512xf32, #tpu.memory_space<hbm>>
        %dma_wait3A_374 = tpu.memref_squeeze %dma_wait3A_373 : memref<1x512xf32, #tpu.memory_space<hbm>> -> memref<512xf32, #tpu.memory_space<hbm>>
        %dma_wait3A_375 = arith.constant 0 : i32
        %dma_wait3A_376 = tpu.memref_slice %arg4[%arg0, %dma_wait3A_375] : memref<2x512xf32, #tpu.memory_space<hbm>> -> memref<1x512xf32, #tpu.memory_space<hbm>>
        %dma_wait3A_377 = tpu.memref_squeeze %dma_wait3A_376 : memref<1x512xf32, #tpu.memory_space<hbm>> -> memref<512xf32, #tpu.memory_space<hbm>>
        %dma_wait3A_378 = arith.constant 0 : i32
        %dma_wait3A_379 = tpu.memref_slice %arg7[%dma_wait3A_378] : memref<528xf32, #tpu.memory_space<vmem>> -> memref<512xf32, #tpu.memory_space<vmem>>
        tpu.wait_dma2 semaphore(%run_scoped3A : memref<!tpu.dma_semaphore, #tpu.memory_space<semaphore_mem>>) src(%dma_wait3A_379 : memref<512xf32, #tpu.memory_space<vmem>>) dst(%dma_wait3A_377 : memref<512xf32, #tpu.memory_space<hbm>>)
        tpu.yield
      }) : () -> ()
    } else {
    }
    return
  }
}

module attributes {stable_mosaic.version = 14 : i64} {
  func.func @body(%arg0: i32, %arg1: memref<32000x128xf32, #tpu.memory_space<vmem>>, %arg2: memref<8x128xf32, #tpu.memory_space<vmem>>, %arg3: memref<8x32000xf32, #tpu.memory_space<vmem>>) attributes {dimension_semantics = [#tpu.dimension_semantics<arbitrary>], iteration_bounds = array<i64: 10>, scalar_prefetch = 0 : i64, scratch_operands = 0 : i64, tpu.core_type = #tpu.core_type<tc>, window_params = [{transform_indices = @transform_0, window_bounds = array<i64: 32000, 128>}, {pipeline_mode = #tpu.pipeline_mode<synchronous>, transform_indices = @transform_1, window_bounds = array<i64: 8, 128>}, {transform_indices = @transform_2, window_bounds = array<i64: 8, 32000>}]} {
    %get3A = arith.constant 0 : index
    %get3A_0 = arith.constant 0 : index
    %get3A_1 = vector.load %arg2[%get3A, %get3A_0] : memref<8x128xf32, #tpu.memory_space<vmem>>, vector<8x128xf32>
    %get3A_2 = arith.constant 0 : index
    %get3A_3 = arith.constant 0 : index
    %get3A_4 = vector.load %arg1[%get3A_2, %get3A_3] : memref<32000x128xf32, #tpu.memory_space<vmem>>, vector<32000x128xf32>
    %dot_general3A = arith.constant dense<0.000000e+00> : vector<8x32000xf32>
    %dot_general3A_5 = tpu.matmul %get3A_1, %get3A_4, %dot_general3A {dimension_numbers = #tpu.dot_dimension_numbers<[1], [1], [0], [0], [0, 0, 1, 0], [], []>, transpose_lhs_hint = false} : vector<8x128xf32>, vector<32000x128xf32>, vector<8x32000xf32> -> vector<8x32000xf32>
    %swap3A = arith.constant 0 : index
    %swap3A_6 = arith.constant 0 : index
    %swap3A_7 = vector.load %arg3[%swap3A, %swap3A_6] : memref<8x32000xf32, #tpu.memory_space<vmem>>, vector<8x32000xf32>
    tpu.vector_store %arg3[%swap3A, %swap3A_6], %dot_general3A_5 {strides = array<i32>} : memref<8x32000xf32, #tpu.memory_space<vmem>>, vector<8x32000xf32>,
    return
  }
  func.func @transform_0(%arg0: i32) -> (i32, i32) {
    %c0_i32 = arith.constant 0 : i32
    %c0_i32_0 = arith.constant 0 : i32
    return %arg0, %c0_i32 : i32, i32
  }
  func.func @transform_1(%arg0: i32) -> (i32, i32) {
    %c0_i32 = arith.constant 0 : i32
    %c0_i32_0 = arith.constant 0 : i32
    %c0_i32_1 = arith.constant 0 : i32
    return %c0_i32, %c0_i32_0 : i32, i32
  }
  func.func @transform_2(%arg0: i32) -> (i32, i32) {
    %c0_i32 = arith.constant 0 : i32
    %c0_i32_0 = arith.constant 0 : i32
    return %c0_i32, %arg0 : i32, i32
  }
}

</mosaic_0001>

<sc_bundles>
// kernel: kernel.4.cloned.1.call-start
scs
__scs_entry_jumppad:
0x0: {  	(pc) =	sbr.rel $0x88, $3  }
0x1: {  	(tag) =	ssettag $0x0;
	lr =	simm.s32 $0x1  }
0x2: {  	[smem:$0x3F9D] =	sst lr;
	_ =	strace $0xD0000000  }
0x3: {  	_ = 	snop  }
0x4: {  	_ = 	snop  }
0x5: {  	_ = 	snop  }
0x6: {  	_ = 	snop  }
0x7: {  	_ = 	snop  }
__scs_overlays_trampoline_lowered:
0x8: {  	[smem:$0x3FAC] =	sst s0  }
0x9: {  	[smem:$0x3FAD] =	sst s1  }
0xa: {  	[smem:$0x3FAE] =	sst s2  }
0xb: {  	[smem:$0x3FAF] =	sst s3  }
0xc: {  	[smem:$0x3FB0] =	sst s4  }
0xd: {  	[smem:$0x3FB1] =	sst s5  }
0xe: {  	[smem:$0x3FB2] =	sst s6  }
0xf: {  	[smem:$0x3FB3] =	sst s7  }
0x10: {  	[smem:$0x3FB4] =	sst s8  }
0x11: {  	[smem:$0x3FB5] =	sst s9;
	s0 =	simm.s32 @!p0 $0x0  }
0x12: {  	s1 =	sld [smem:$0x3F9B];
	s0 =	simm.s32 @p0 $0x1  }
0x13: {  	[smem:$0x3FB6] =	sst s0;
	s0 =	simm.s32 @!p1 $0x0  }
0x14: {  	s2 =	sld [smem:$0x3F9A];
	s0 =	simm.s32 @p1 $0x1  }
0x15: {  	[smem:$0x3FB7] =	sst s0;
	s0 =	simm.s32 @!p2 $0x0  }
0x16: {  	s3 =	sld [smem:$0x3FDB];
	s0 =	simm.s32 @p2 $0x1  }
0x17: {  	s4 =	simm.s32 $0x1BF5;
	[smem:$0x3FB9] =	sst s0  }
0x18: {  	s0 =	sld [smem:$0x3F9C];
	_ =	swait.ge [sflag:s4], $0x0  }
0x19: {  	s7 =	sld [smem:$0x3F9D]  }
0x1a: {  	s8 =	sadd.s32 $0xFFFFE003, lr  }
0x1b: {  	s9 =	sadd.s32 $0xFFFFFEF7, lr;
	s5 =	simm.s32 $0xFFFFFFFF;
	p2 =	slt.u32 s8, $0xFFFFF086  }
0x1c: {  	p1 =	slt.u32 s9, $0xF7A;
	s5 =	simm.s32 @!p2 $0x0  }
0x1d: {  	s5 =	simm.s32 @p1 $0x1;
	p0 =	seq.s32 s7, s2  }
0x1e: {  	s7 =	smul.u32 @!p0 $0xF7A, s2;
	p2 =	seq.s32 @!p0 s5, $0x0  }
0x1f: {  	s9 =	smul.u32 $0xF7A, s1;
	s8 =	simm.s32 @!p0 $0x1BF5;
	p2 =	por !p2, p0  }
0x20: {  	[sflag:s8] =	ssyncset.s32 @!p0 $0xFFFFF086;
	s6 =	sadd.s32 @!p0 s3, s7;
	s7 =	simm.s32 @!p0 $0x108  }
0x21: {  	s3 =	sadd.s32 s3, s9;
	s6 =	sadd.s32 @!p0 $0x88, s6;
	s7 =	simm.s32 @p2 $0x1082  }
0x22: {  	[simem:s7], [sflag:s8] =	dma.local @!p0 [hbm:s6], $0xF7A  }
0x23: {  	s9 =	sor.u32 $0xD0000000, s2;
	s6 =	simm.s32 $0x108;
	_ =	swait.ge @!p0 [sflag:s8], $0x0  }
0x24: {  	s3 =	sadd.s32 $0x88, s3;
	s6 =	simm.s32 @!p1 $0x1082;
	[sflag:s4] =	ssyncset.s32 $0xFFFFF086  }
0x25: {  	[simem:s6], [sflag:s4] =	dma.local [hbm:s3], $0xF7A  }
0x26: {  	[smem:$0x3F9D] =	sst s1;
	(tag) =	ssettag s2;
	_ =	strace s9  }
0x27: {  	s1 =	sld [smem:$0x3FAD]  }
0x28: {  	s2 =	sld [smem:$0x3FAE]  }
0x29: {  	s4 =	sld [smem:$0x3FB0]  }
0x2a: {  	p0 =	seq.s32 s5, $0x0;
	s5 =	sld [smem:$0x3FB1]  }
0x2b: {  	s6 =	sld [smem:$0x3FB2]  }
0x2c: {  	s7 =	sld [smem:$0x3FB3]  }
0x2d: {  	s3 =	simm.s32 $0x108;
	s8 =	sld [smem:$0x3FB4]  }
0x2e: {  	s3 =	simm.s32 @!p0 $0x1082;
	s9 =	sld [smem:$0x3FB5]  }
0x2f: {  	lr =	sadd.s32 s0, s3;
	s0 =	sld [smem:$0x3FAC]  }
0x30: {  	s3 =	sld [smem:$0x3FAF]  }
0x31: {  	[smem:$0x3FB8] =	sst s10  }
0x32: {  	s10 =	sld [smem:$0x3FB6];
	_ =	sdelay $0x3  }
0x33: {  	p0 =	seq.s32 s10, $0x1;
	s10 =	sld [smem:$0x3FB8];
	_ =	sdelay $0x3  }
0x34: {  	[smem:$0x3FB8] =	sst s10  }
0x35: {  	s10 =	sld [smem:$0x3FB7];
	_ =	sdelay $0x3  }
0x36: {  	p1 =	seq.s32 s10, $0x1;
	s10 =	sld [smem:$0x3FB8];
	_ =	sdelay $0x3  }
0x37: {  	[smem:$0x3FB8] =	sst s10  }
0x38: {  	s10 =	sld [smem:$0x3FB9]  }
0x39: {  	_ = 	snop;
	(pc) =	sbr.ind lr, $3  }
0x3a: {  	_ = 	snop  }
0x3b: {  	_ = 	snop  }
0x3c: {  	p2 =	seq.s32 s10, $0x1;
	s10 =	sld [smem:$0x3FB8]  }
0x3d: {  	_ =	shalt  }
0x3e: {  	_ =	shalt  }
0x3f: {  	_ =	shalt  }
0x40: {  	_ =	shalt  }
0x41: {  	_ =	shalt  }
0x42: {  	_ =	shalt  }
0x43: {  	_ =	shalt  }
0x44: {  	_ =	shalt  }
0x45: {  	_ =	shalt  }
0x46: {  	_ =	shalt  }
0x47: {  	_ =	shalt  }
0x48: {  	_ =	shalt  }
0x49: {  	_ =	shalt  }
0x4a: {  	_ =	shalt  }
0x4b: {  	_ =	shalt  }
0x4c: {  	_ =	shalt  }
0x4d: {  	_ =	shalt  }
0x4e: {  	_ =	shalt  }
0x4f: {  	_ =	shalt  }
0x50: {  	_ =	shalt  }
0x51: {  	_ =	shalt  }
0x52: {  	_ =	shalt  }
0x53: {  	_ =	shalt  }
0x54: {  	_ =	shalt  }
0x55: {  	_ =	shalt  }
0x56: {  	_ =	shalt  }
0x57: {  	_ =	shalt  }
0x58: {  	_ =	shalt  }
0x59: {  	_ =	shalt  }
0x5a: {  	_ =	shalt  }
0x5b: {  	_ =	shalt  }
0x5c: {  	_ =	shalt  }
0x5d: {  	_ =	shalt  }
0x5e: {  	_ =	shalt  }
0x5f: {  	_ =	shalt  }
0x60: {  	_ =	shalt  }
0x61: {  	_ =	shalt  }
0x62: {  	_ =	shalt  }
0x63: {  	_ =	shalt  }
0x64: {  	_ =	shalt  }
0x65: {  	_ =	shalt  }
0x66: {  	_ =	shalt  }
0x67: {  	_ =	shalt  }
0x68: {  	_ =	shalt  }
0x69: {  	_ =	shalt  }
0x6a: {  	_ =	shalt  }
0x6b: {  	_ =	shalt  }
0x6c: {  	_ =	shalt  }
0x6d: {  	_ =	shalt  }
0x6e: {  	_ =	shalt  }
0x6f: {  	_ =	shalt  }
0x70: {  	_ =	shalt  }
0x71: {  	_ =	shalt  }
0x72: {  	_ =	shalt  }
0x73: {  	_ =	shalt  }
0x74: {  	_ =	shalt  }
0x75: {  	_ =	shalt  }
0x76: {  	_ =	shalt  }
0x77: {  	_ =	shalt  }
0x78: {  	_ =	shalt  }
0x79: {  	_ =	shalt  }
0x7a: {  	_ =	shalt  }
0x7b: {  	_ =	shalt  }
0x7c: {  	_ =	shalt  }
0x7d: {  	_ =	shalt  }
0x7e: {  	_ =	shalt  }
0x7f: {  	_ =	shalt  }
0x80: {  	_ =	shalt  }
0x81: {  	_ =	shalt  }
0x82: {  	_ =	shalt  }
0x83: {  	_ =	shalt  }
0x84: {  	_ =	shalt  }
0x85: {  	_ =	shalt  }
0x86: {  	_ =	shalt  }
0x87: {  	_ =	shalt  }
.Lfunc_end0:
.L_simem_size_0:
called_computation_lowered:
.L_overlay_start_0:
0x88: {  	s2 =	sld [smem:$0x3FD9]  }
0x89: {  	s3 =	sld [smem:$0x3FFE];
	_ =	sdelay $0x1  }
0x8a: {  	s1 =	srdreg.scid  }
0x8b: {  	s0 =	sand.u32 $0x1, s1  }
0x8c: {  	s17 =	sshll.u32 s0, $0xA;
	s2 =	sadd.s32 s3, s2  }
0x8d: {  	s2 =	sadd.s32 s2, s17  }
0x8e: {  	[smem:$0x3FC4] =	sst s2  }
0x8f: {  	_ = 	snop  }
0x90: {  	s2 =	sld [smem:$0x3FC8];
	(tm) =	ssettm $0x1  }
0x91: {  	s18 =	sld [smem:$0x3FFB];
	_ =	sdelay $0x3  }
0x92: {  	_ =	strace s18  }
0x93: {  	s3 =	sld [smem:$0x3FFC];
	_ =	sdelay $0x3  }
0x94: {  	_ =	strace s3  }
0x95: {  	s3 =	sld [smem:$0x3FFD];
	_ =	sdelay $0x3  }
0x96: {  	_ =	strace s3  }
0x97: {  	_ =	strace $0x8FFFFFFF  }
0x98: {  	s19 =	sld [smem:$0x3FDB];
	_ =	sdelay $0x1  }
0x99: {  	s4 =	simm.s32 $_scs_section_size  }
0x9a: {  	s5 =	simm.s32 $_size__tile_overlayer_lowered;
	s6 =	simm.s32 $_tile_overlayer_lowered  }
0x9b: {  	s22 =	simm.s32 $0x1BFF;
	s21 =	sshll.u32 s6, $0x1;
	s3 =	sadd.s32 s4, s19  }
0x9c: {  	s7 =	simm.s32 $0x0;
	s20 =	sshll.u32 s5, $0x1;
	s5 =	sadd.s32 s21, s3  }
0x9d: {  	[timem:s7], [sflag:s22] =	dma.local [hbm:s5], s20  }
0x9e: {  	_ =	swait.ge [sflag:s22], s20  }
0x9f: {  	s4 =	ssub.s32 $0x0, s20;
	[sflag:s22] =	ssyncset.done $0x0  }
0xa0: {  	[sflag:s22] =	ssyncadd.s32 s4;
	_ =	sdelay $0x1  }
0xa1: {  	s23 =	simm.s32 $0x1B8B  }
0xa2: {  	_ =	swait.ge [sflag:s23], $0x1  }
0xa3: {  	[sflag:s23] =	ssyncset.done $0x0  }
0xa4: {  	s25 =	simm.s32 $0x1B8E;
	s24 =	sld [smem:$0x3FFE];
	[sflag:s23] =	ssyncadd.s32 $0xFFFFFFFF  }
0xa5: {  	s26 =	simm.s32 $execute0_lowered;
	[smem:$0x3FD2] =	sst s25  }
0xa6: {  	s5 =	sshll.u32 s26, $0x1;
	_ =	strace $0x80000046;
	[dreg:$0x1] =	wrdreg $0xFFFFFFFF  }
0xa7: {  	s28 =	simm.s32 $_size_execute0_lowered;
	s3 =	sadd.s32 s3, s5;
	[dreg:$0x0] =	wrdreg $0x0  }
0xa8: {  	s5 =	sshll.u32 s28, $0x1;
	[dreg:$0x2] =	wrdreg s3  }
0xa9: {  	[dreg:$0x3] =	wrdreg s5  }
0xaa: {  	[dreg:$0x4] =	wrdreg $0xC0  }
0xab: {  	_ =	task [dreg:s7], $0x5FFFF  }
0xac: {  	[dreg:$0x1] =	wrdreg $0xFFFFFFFF  }
0xad: {  	[dreg:$0x0] =	wrdreg $0x60  }
0xae: {  	[dreg:$0x2] =	wrdreg s24  }
0xaf: {  	[dreg:$0x3] =	wrdreg s2  }
0xb0: {  	[dreg:$0x4] =	wrdreg $0x51800  }
0xb1: {  	[dreg:$0x5] =	wrdreg $0x9  }
0xb2: {  	_ =	task.clear_ibuf [dreg:s7], $0x6FFFF;
	_ =	strace $0x90000046  }
0xb3: {  	s29 =	simm.s32 $0x9;
	_ =	strace $0x80000048  }
0xb4: {  	_ =	swait.ge [sflag:s29], $0x1  }
0xb5: {  	[sflag:s29] =	ssyncadd.s32 $0xFFFFFFFF  }
0xb6: {  	_ =	strace $0x90000048  }
0xb7: {  	_ =	sfence  }
0xb8: {  	s30 =	sld [smem:$0x0];
	_ =	sdelay $0x2  }
0xb9: {  	s31 =	sshll.u32 s1, $0xD;
	s1 =	sshrl.u32 s1, $0x2  }
0xba: {  	s3 =	sand.u32 $0x4000, s31;
	s1 =	sadd.s32 s1, s30  }
0xbb: {  	s0 =	sor.u32 s3, s0;
	s1 =	sshll.u32 s1, $0x11  }
0xbc: {  	s0 =	sor.u32 s1, s0  }
0xbd: {  	s0 =	sadd.s32 $0x8F2B, s0  }
0xbe: {  	[sflag:s0] =	ssyncadd.remote.s32 $0x1  }
0xbf: {  	_ =	sfence.sel $0xFFFF  }
0xc0: {  	[dreg:$0x0] =	wrdreg $0xFFFFFFFF;
	(pc) =	sbr.abs _section_cstart, $3  }
0xc1: {  	[dreg:$0x1] =	wrdreg $0xFFFFFFFF  }
0xc2: {  	_ =	task.clear_ibuf [dreg:s7], $0x2FFFF;
	_ =	strace $0x9FFFFFFF  }
0xc3: {  	(tm) =	ssettm $0x7FFFFFFF  }
tec
execute0_lowered:
.L_overlay_start_1:
0x0: {  	(tag) =	ssettag $0x1  }
0x1: {  	v0 =	vlaneseq.u32  }
0x2: {  	v1 =	vimm.s32 $0x200;
	v2 =	vimm.f32 $0.0e+00;
	v24 =	vimm.s32 $0xFEDCBA9  }
0x3: {  	v25 =	vimm.s32 $0x87654321;
	v35 =	vimm.f32 $1.000000000e+00;
	v36 =	vimm.s32 $0x0  }
0x4: {  	vm0 =	vmmov $0x7fff;
	v38 =	vimm.s32 $0xF;
	v3 =	vor.u32 $0x10, v0  }
0x5: {  	s3 =	rddreg [dreg:$0x0];
	v4 =	vor.u32 $0x20, v0;
	v5 =	vor.u32 $0x30, v0;
	v6 =	vor.u32 $0x40, v0  }
0x6: {  	s4 =	rddreg [dreg:$0x1];
	v7 =	vor.u32 $0x50, v0;
	v8 =	vor.u32 $0x60, v0;
	v9 =	vor.u32 $0x70, v0  }
0x7: {  	s1 =	srdreg.scid;
	s7 =	stileid.u32;
	v10 =	vor.u32 $0x80, v0;
	v11 =	vor.u32 $0x90, v0;
	v12 =	vor.u32 $0xA0, v0  }
0x8: {  	s0 =	rddreg [dreg:$0x2];
	s2 =	simm.s32 $0x0;
	s11 =	simm.s32 $0x51A0;
	v13 =	vor.u32 $0xB0, v0;
	v14 =	vor.u32 $0xC0, v0;
	v15 =	vor.u32 $0xD0, v0  }
0x9: {  	s12 =	simm.s32 $0x0;
	v16 =	vor.u32 $0xE0, v0;
	v17 =	vor.u32 $0xF0, v0;
	v18 =	vor.u32 $0x100, v0;
	s5 =	sand.u32 $0x1, s1;
	s1 =	rddreg [dreg:$0x3]  }
0xa: {  	s6 =	sshll.u32 s7, $0x1;
	v19 =	vor.u32 $0x110, v0;
	[smem:$0x7FF] =	sst s2;
	v28 =	vunpack.c.l.s4.s8 v24;
	v29 =	vunpack.c.l.s4.s8 v25;
	p0 =	sne.s32 s7, $0x0  }
0xb: {  	v20 =	vor.u32 $0x120, v0;
	v21 =	vor.u32 $0x130, v0;
	v22 =	vor.u32 $0x140, v0;
	s7 =	simm.s32 $0x1;
	s6 =	sor.u32 s5, s6;
	_ =	strace $0x80000047  }
.Ltmp0:
0xc: {  	v23 =	vor.u32 $0x150, v0;
	s8 =	sshll.u32 s5, $0x4;
	s5 =	ssub.s32 $0x2, s5;
	v33 =	vunpack.c.0.s8.s32 v28;
	v34 =	vunpack.c.0.s8.s32 v29;
	(pc) =	sbr.rel .LBB2_1-.Ltmp0, $4  }
0xd: {  	v24 =	vor.u32 $0x160, v0;
	v25 =	vor.u32 $0x170, v0;
	v26 =	vor.u32 $0x180, v0;
	s6 =	smul.u32 $0x4E2, s6;
	s8 =	sadd.s32 s8, s3;
	s31 =	sshrl.u32 s5, $0x1  }
0xe: {  	v27 =	vor.u32 $0x190, v0;
	v30 =	vor.u32 $0x1C0, v0;
	s10 =	ssub.s32 s5, s31;
	s5 =	sadd.s32 $0x400, s8;
	s8 =	simm.s32 $0x2780;
	v33 =	vcombine.low v34, v33  }
0xf: {  	v31 =	vor.u32 $0x1D0, v0;
	v32 =	vor.u32 $0x1E0, v0;
	v28 =	vor.u32 $0x1A0, v0;
	s9 =	sadd.s32 s6, s3;
	s4 =	sadd.s32 s4, s6;
	s6 =	smax.u32 s10, $0x1  }
0x10: {  	v29 =	vor.u32 $0x1B0, v0;
	v34 =	vor.u32 $0x1F0, v0;
	s10 =	simm.s32 $0x200;
	s3 =	sadd.s32 $0x4E800, s9;
	s9 =	simm.s32 $0x4F00;
	v37 =	vand.u32 $0xF, v33  }
.LBB2_6:
0x11: {  	v40 =	vld [tilespmem:$0x2700];
	_ =	sdelay $0x3  }
0x12: {  	v41 =	vld [tilespmem:$0x4E80]  }
0x13: {  	v42 =	vld [tilespmem:$0x4E90];
	(xrf2) =	vadd.scan.msk.f32 $0xffff, v40;
	_ =	sdelay $0x4  }
0x14: {  	v61 =	vperm.xlane v42, v36;
	v62 =	vperm.xlane v41, v33;
	_ =	sdelay $0x1  }
0x15: {  	v40 =	vsel vm0, v62, v61  }
0x16: {  	vm1 =	vne.s32 v41, v40;
	_ =	sdelay $0x1  }
0x17: {  	v63, _, _ =	vpop (xrf2)  }
0x18: {  	v39 =	vadd.f32 v63, v39;
	_ =	sdelay $0x1  }
0x19: {  	v42 =	vsub.f32 $0.0e+00, v39  }
0x1a: {  	[tilespmem:v41+s9+$0x0] =	vst.idx.add.f32.msk vm1, v39  }
0x1b: {  	[tilespmem:v40+s9+$0x0] =	vst.idx.add.f32.msk vm1, v42  }
0x1c: {  	[spmem:s0] =	stream.indirect.scatter.add.f32 [tilespmem:s9], [sflag:$0x1], $0x1, s11, s10, $0xb8;
	[tilespmem:$0x53A0] =	vst v63  }
0x1d: {  	_ =	swait.ge [sflag:s7], $0x200  }
0x1e: {  	[sflag:s7] =	ssyncset.done $0x0  }
0x1f: {  	[sflag:s7] =	ssyncadd.s32 $0xFFFFFE00  }
0x20: {  	s13 =	simm.s32 @!p0 $0x4F00;
	s14 =	simm.s32 @!p0 $0x1;
	[bflag:$0x0] =	sbarrier.arrive $0xFFFF  }
0x21: {  	[tilespmem:s13], [sflag:$0x1] =	stream.linear.gather @!p0 [spmem:s0], $0x200, $0x38;
	[tilespmem:$0x53A0] =	vst v63  }
0x22: {  	s12 =	sadd.s32 $0x1, s12;
	_ =	swait.ge @!p0 [sflag:s14], $0x200  }
0x23: {  	s15 =	simm.s32 @!p0 $0x80;
	p1 =	sne.s32 s12, s6;
	[sflag:s14] =	ssyncset.done @!p0 $0x0  }
.Ltmp1:
0x24: {  	s16 =	simm.s32 @!p0 $0x100;
	[sflag:s14] =	ssyncadd.s32 @!p0 $0xFFFFFE00;
	(pc) =	sbr.rel @!p1 .LBB2_7-.Ltmp1, $4  }
0x25: {  	[hbm4b:s5+s15] =	stream.strided.scatter @!p0 [tilespmem:s13], [sflag:$0x1], $0x200, s16, s15, $0x38;
	[tilespmem:$0x53A0] =	vst v63  }
0x26: {  	_ =	swait.ge @!p0 [sflag:s14], $0x200  }
0x27: {  	[sflag:s14] =	ssyncset.done @!p0 $0x0  }
0x28: {  	[sflag:s14] =	ssyncadd.s32 @!p0 $0xFFFFFE00  }
.LBB2_1:
0x29: {  	[tilespmem:s2], [sflag:$0x1] =	stream.linear.gather [hbm4b:s3+s2], $0x2710, $0x38;
	[tilespmem:$0x53A0] =	vst v63  }
0x2a: {  	_ =	swait.ge [sflag:s7], $0x2710  }
0x2b: {  	[sflag:s7] =	ssyncset.done $0x0  }
0x2c: {  	[sflag:s7] =	ssyncadd.s32 $0xFFFFD8F0  }
0x2d: {  	[tilespmem:s8], [sflag:$0x1] =	stream.linear.gather [hbm4b:s4+s2], $0x2710, $0x38;
	[tilespmem:$0x53A0] =	vst v63  }
0x2e: {  	_ =	swait.ge [sflag:s7], $0x2710  }
0x2f: {  	[sflag:s7] =	ssyncset.done $0x0  }
0x30: {  	[sflag:s7] =	ssyncadd.s32 $0xFFFFD8F0  }
0x31: {  	[tilespmem:$0x4E90] =	vst v1  }
0x32: {  	[tilespmem:$0x4F00] =	vst v2  }
0x33: {  	[tilespmem:$0x4F10] =	vst v2  }
0x34: {  	[tilespmem:$0x4F20] =	vst v2  }
0x35: {  	[tilespmem:$0x4F30] =	vst v2  }
0x36: {  	[tilespmem:$0x4F40] =	vst v2  }
0x37: {  	[tilespmem:$0x4F50] =	vst v2  }
0x38: {  	[tilespmem:$0x4F60] =	vst v2  }
0x39: {  	[tilespmem:$0x4F70] =	vst v2  }
0x3a: {  	[tilespmem:$0x4F80] =	vst v2  }
0x3b: {  	[tilespmem:$0x4F90] =	vst v2  }
0x3c: {  	[tilespmem:$0x4FA0] =	vst v2  }
0x3d: {  	[tilespmem:$0x4FB0] =	vst v2  }
0x3e: {  	[tilespmem:$0x4FC0] =	vst v2  }
0x3f: {  	[tilespmem:$0x4FD0] =	vst v2  }
0x40: {  	[tilespmem:$0x4FE0] =	vst v2  }
0x41: {  	[tilespmem:$0x4FF0] =	vst v2  }
0x42: {  	[tilespmem:$0x5000] =	vst v2  }
0x43: {  	[tilespmem:$0x5010] =	vst v2  }
0x44: {  	[tilespmem:$0x5020] =	vst v2  }
0x45: {  	[tilespmem:$0x5030] =	vst v2  }
0x46: {  	[tilespmem:$0x5040] =	vst v2  }
0x47: {  	[tilespmem:$0x5050] =	vst v2  }
0x48: {  	[tilespmem:$0x5060] =	vst v2  }
0x49: {  	[tilespmem:$0x5070] =	vst v2  }
0x4a: {  	[tilespmem:$0x5080] =	vst v2  }
0x4b: {  	[tilespmem:$0x5090] =	vst v2  }
0x4c: {  	[tilespmem:$0x50A0] =	vst v2  }
0x4d: {  	[tilespmem:$0x50B0] =	vst v2  }
0x4e: {  	[tilespmem:$0x50C0] =	vst v2  }
0x4f: {  	[tilespmem:$0x50D0] =	vst v2  }
0x50: {  	[tilespmem:$0x50E0] =	vst v2  }
0x51: {  	[tilespmem:$0x50F0] =	vst v2  }
0x52: {  	[tilespmem:$0x5100] =	vst v2  }
0x53: {  	[tilespmem:$0x51A0] =	vst v0  }
0x54: {  	[tilespmem:$0x51B0] =	vst v3  }
0x55: {  	[tilespmem:$0x51C0] =	vst v4  }
0x56: {  	[tilespmem:$0x51D0] =	vst v5  }
0x57: {  	[tilespmem:$0x51E0] =	vst v6  }
0x58: {  	[tilespmem:$0x51F0] =	vst v7  }
0x59: {  	[tilespmem:$0x5200] =	vst v8  }
0x5a: {  	[tilespmem:$0x5210] =	vst v9  }
0x5b: {  	[tilespmem:$0x5220] =	vst v10  }
0x5c: {  	[tilespmem:$0x5230] =	vst v11  }
0x5d: {  	[tilespmem:$0x5240] =	vst v12  }
0x5e: {  	[tilespmem:$0x5250] =	vst v13  }
0x5f: {  	[tilespmem:$0x5260] =	vst v14  }
0x60: {  	[tilespmem:$0x5270] =	vst v15  }
0x61: {  	[tilespmem:$0x5280] =	vst v16  }
0x62: {  	[tilespmem:$0x5290] =	vst v17  }
0x63: {  	[tilespmem:$0x52A0] =	vst v18  }
0x64: {  	[tilespmem:$0x52B0] =	vst v19  }
0x65: {  	[tilespmem:$0x52C0] =	vst v20  }
0x66: {  	[tilespmem:$0x52D0] =	vst v21  }
0x67: {  	[tilespmem:$0x52E0] =	vst v22  }
0x68: {  	[tilespmem:$0x52F0] =	vst v23  }
0x69: {  	[tilespmem:$0x5300] =	vst v24  }
0x6a: {  	[tilespmem:$0x5310] =	vst v25  }
0x6b: {  	[tilespmem:$0x5320] =	vst v26  }
0x6c: {  	[tilespmem:$0x5330] =	vst v27  }
0x6d: {  	[tilespmem:$0x5340] =	vst v28  }
0x6e: {  	[tilespmem:$0x5350] =	vst v29  }
0x6f: {  	[tilespmem:$0x5360] =	vst v30  }
0x70: {  	[tilespmem:$0x5370] =	vst v31  }
0x71: {  	[tilespmem:$0x5380] =	vst v32  }
0x72: {  	s13 =	simm.s32 @!p0 $0x4F00;
	[tilespmem:$0x5390] =	vst v34  }
0x73: {  	[spmem:s0] =	stream.linear.scatter @!p0 [tilespmem:s13], [sflag:$0x1], $0x200, $0x38;
	[tilespmem:$0x53A0] =	vst v63  }
0x74: {  	s13 =	simm.s32 @!p0 $0x1  }
.Ltmp2:
0x75: {  	_ =	swait.ge @!p0 [sflag:s13], $0x200;
	(pc) =	sbr.rel .LBB2_2-.Ltmp2, $4  }
0x76: {  	[sflag:s13] =	ssyncset.done @!p0 $0x0  }
0x77: {  	[sflag:s13] =	ssyncadd.s32 @!p0 $0xFFFFFE00  }
0x78: {  	[bflag:$0x0] =	sbarrier.arrive $0xFFFF  }
0x79: {  	v39 =	vimm.f32 $0.0e+00;
	s13 =	simm.s32 $0x0  }
.LBB2_4:
0x7a: {  	v40 =	vld [tilespmem:s14+$0x10];
	_ =	sdelay $0x1  }
0x7b: {  	v42 =	vld [tilespmem:s14+$0x20];
	_ =	sdelay $0x1  }
0x7c: {  	v43 =	vld [tilespmem:s14+$0x30]  }
0x7d: {  	v40 =	vadd.f32 v40, v41;
	_ =	sdelay $0x1  }
0x7e: {  	v40 =	vadd.f32 v42, v40;
	_ =	sdelay $0x1  }
0x7f: {  	v40 =	vadd.f32 v43, v40;
	_ =	sdelay $0x1  }
0x80: {  	(xrf2) =	vadd.scan.msk.f32 $0xffff, v40;
	_ =	sdelay $0x9  }
0x81: {  	v40, _, _ =	vpop (xrf2)  }
0x82: {  	v40 =	vbroadcast v40, $0xF;
	_ =	sdelay $0x1  }
0x83: {  	v39 =	vadd.f32 v40, v39  }
.LBB2_5:
0x84: {  	s13 =	sadd.s32 $0x100, s13  }
0x85: {  	p1 =	sne.s32 s13, $0x9C00  }
.Ltmp3:
0x86: {  	_ = 	snop;
	(pc) =	sbr.rel @!p1 .LBB2_6-.Ltmp3, $1  }
0x87: {  	_ =	sdelay $0x3  }
.LBB2_2:
0x88: {  	s14 =	sshra.s32 s13, $0x2  }
0x89: {  	v40 =	vld [tilespmem:s14+$0x2780]  }
0x8a: {  	v41 =	vld [tilespmem:s14+$0x27C0];
	_ =	sdelay $0x4  }
0x8b: {  	vm1 =	veq.s32 v40, v41  }
0x8c: {  	v41 =	vsel vm1, $0x0, v35  }
0x8d: {  	(xrf0) =	vmax.scan.msk.f32 $0xffff, v41;
	_ =	sdelay $0x5  }
0x8e: {  	v41, _, _ =	vpop (xrf0)  }
0x8f: {  	(v2sf) =	vpush v41, $0xF;
	_ =	sdelay $0xe  }
0x90: {  	s15 =	spop (v2sf)  }
0x91: {  	p1 =	sgt.f32 s15, $0.0e+00  }
.Ltmp4:
0x92: {  	_ = 	snop;
	(pc) =	sbr.rel @!p1 .LBB2_4-.Ltmp4, $2  }
0x93: {  	_ =	sdelay $0x2  }
0x94: {  	v41 =	vld [tilespmem:s14+$0x0]  }
0x95: {  	_ =	sdelay $0x3  }
0x96: {  	v42 =	vld [tilespmem:s14+$0x2790];
	(xrf2) =	vadd.scan.msk.f32 $0xffff, v41;
	_ =	sdelay $0x4  }
0x97: {  	v53 =	vperm.xlane v40, v37;
	v52 =	vperm.xlane v42, v36;
	_ =	sdelay $0x1  }
0x98: {  	v41 =	vsel vm0, v53, v52  }
0x99: {  	vm1 =	vne.s32 v40, v41;
	_ =	sdelay $0x1  }
0x9a: {  	v54, _, _ =	vpop (xrf2)  }
0x9b: {  	v39 =	vadd.f32 v54, v39;
	_ =	sdelay $0x1  }
0x9c: {  	v42 =	vsub.f32 $0.0e+00, v39  }
0x9d: {  	[tilespmem:v40+s9+$0x0] =	vst.idx.add.f32.msk vm1, v39  }
0x9e: {  	[tilespmem:v41+s9+$0x0] =	vst.idx.add.f32.msk vm1, v42  }
0x9f: {  	v40 =	vld [tilespmem:s14+$0x10];
	_ =	sdelay $0x3  }
0xa0: {  	v41 =	vld [tilespmem:s14+$0x2790]  }
0xa1: {  	v42 =	vld [tilespmem:s14+$0x27A0];
	(xrf2) =	vadd.scan.msk.f32 $0xffff, v40;
	_ =	sdelay $0x4  }
0xa2: {  	v55 =	vperm.xlane v42, v36;
	v56 =	vperm.xlane v41, v37;
	_ =	sdelay $0x1  }
0xa3: {  	v40 =	vsel vm0, v56, v55  }
0xa4: {  	vm1 =	vne.s32 v41, v40  }
0xa5: {  	v39 =	vperm.xlane v39, v38  }
0xa6: {  	v57, _, _ =	vpop (xrf2)  }
0xa7: {  	v39 =	vadd.f32 v57, v39;
	_ =	sdelay $0x1  }
0xa8: {  	v42 =	vsub.f32 $0.0e+00, v39  }
0xa9: {  	[tilespmem:v41+s9+$0x0] =	vst.idx.add.f32.msk vm1, v39  }
0xaa: {  	[tilespmem:v40+s9+$0x0] =	vst.idx.add.f32.msk vm1, v42  }
0xab: {  	v40 =	vld [tilespmem:s14+$0x20];
	_ =	sdelay $0x3  }
0xac: {  	v41 =	vld [tilespmem:s14+$0x27A0]  }
0xad: {  	v42 =	vld [tilespmem:s14+$0x27B0];
	(xrf2) =	vadd.scan.msk.f32 $0xffff, v40;
	_ =	sdelay $0x4  }
0xae: {  	v58 =	vperm.xlane v42, v36;
	v59 =	vperm.xlane v41, v37;
	_ =	sdelay $0x1  }
0xaf: {  	v40 =	vsel vm0, v59, v58  }
0xb0: {  	vm1 =	vne.s32 v41, v40  }
0xb1: {  	v39 =	vperm.xlane v39, v38  }
0xb2: {  	v60, _, _ =	vpop (xrf2)  }
0xb3: {  	v39 =	vadd.f32 v60, v39;
	_ =	sdelay $0x1  }
0xb4: {  	v42 =	vsub.f32 $0.0e+00, v39  }
0xb5: {  	[tilespmem:v41+s9+$0x0] =	vst.idx.add.f32.msk vm1, v39  }
0xb6: {  	[tilespmem:v40+s9+$0x0] =	vst.idx.add.f32.msk vm1, v42  }
0xb7: {  	v40 =	vld [tilespmem:s14+$0x30];
	_ =	sdelay $0x3  }
0xb8: {  	v41 =	vld [tilespmem:s14+$0x27B0]  }
0xb9: {  	v42 =	vld [tilespmem:s14+$0x27C0];
	(xrf2) =	vadd.scan.msk.f32 $0xffff, v40;
	_ =	sdelay $0x4  }
0xba: {  	v61 =	vperm.xlane v42, v36;
	v62 =	vperm.xlane v41, v37;
	_ =	sdelay $0x1  }
0xbb: {  	v40 =	vsel vm0, v62, v61  }
0xbc: {  	vm1 =	vne.s32 v41, v40  }
0xbd: {  	v39 =	vperm.xlane v39, v38  }
0xbe: {  	v63, _, _ =	vpop (xrf2)  }
.Ltmp5:
0xbf: {  	v39 =	vadd.f32 v63, v39;
	(pc) =	sbr.rel .LBB2_5-.Ltmp5, $4  }
0xc0: {  	_ = 	snop  }
0xc1: {  	v42 =	vsub.f32 $0.0e+00, v39  }
0xc2: {  	[tilespmem:v41+s9+$0x0] =	vst.idx.add.f32.msk vm1, v39  }
0xc3: {  	v39 =	vperm.xlane v39, v38;
	[tilespmem:v40+s9+$0x0] =	vst.idx.add.f32.msk vm1, v42  }
.LBB2_7:
0xc4: {  	_ =	sfence.sel $0x180000  }
0xc5: {  	[bflag:$0x0] =	sbarrier.arrive $0xFFFF  }
0xc6: {  	_ =	strace $0x90000047  }
0xc7: {  	s0 =	sadd.s32 @!p0 $0x100000, s1;
	[bflag:$0x2] =	sbarrier.arrive $0xFFFF  }
0xc8: {  	[sflag:s0] =	ssyncadd.tile.s32 @!p0 $0x1;
	_ =	shalt  }
.Lfunc_end2:
_tile_overlayer_lowered:
.L_overlay_start_2:
0xc9: {  	(tag) =	ssettag $0x2  }
0xca: {  	s0 =	rddreg [dreg:$0x0];
	s2 =	stileid.u32  }
0xcb: {  	s1 =	rddreg [dreg:$0x1];
	p0 =	sne.s32 s2, $0x0  }
0xcc: {  	s3 =	rddreg [dreg:$0x2];
	[bflag:$0x3] =	sbarrier.arrive $0xFFFF;
	s2 =	simm.s32 @!p0 $0x1C01  }
0xcd: {  	[timem:s3], [sflag:s2] =	dma.local @!p0 [hbm:s0], s1  }
0xce: {  	s0 =	simm.s32 @!p0 $0x1  }
0xcf: {  	_ =	swait.ge @!p0 [sflag:s0], s1  }
0xd0: {  	s1 =	ssub.s32 @!p0 $0x0, s1;
	[sflag:s0] =	ssyncset.done @!p0 $0x0  }
0xd1: {  	[sflag:s0] =	ssyncadd.s32 @!p0 s1  }
0xd2: {  	[bflag:$0x3] =	sbarrier.arrive $0xFFFF  }
0xd3: {  	_ =	shalt  }

</sc_bundles>
